<compile_context>
chip_gen: v7x
topology: tpu7x:2x2x1
jax: 0.10.2.dev20260603
libtpu: 0.0.44.dev20260713+nightly
codegen_flags: <defaults>
</compile_context>

<pallas_src>
import functools

import jax
import jax.numpy as jnp
from jax import lax
from jax.experimental import pallas as pl
from jax.experimental.pallas import tpu as pltpu
from jax.experimental.pallas import tpu_sc as plsc

N = 1600000
NUM_PERSONS = 32
NUM_IMAGES = 8
NUM_SEG = NUM_IMAGES * NUM_PERSONS

_NC = 2
_NS = 16
_NW = _NC * _NS
_PER_W = N // _NW
_CHUNK = 10000
_NCHUNK = _PER_W // _CHUNK
_VECS = _CHUNK // 16


def _sc_stats_kernel(tags_hbm, lbl_hbm, bidx_hbm, out_hbm,
                     tag_a, tag_b, lbl_a, lbl_b, bid_a, bid_b,
                     acc_v, fold_v, sem0, sem1):
    wid = lax.axis_index("s") * _NC + lax.axis_index("c")
    base = wid * _PER_W
    bufs = ((tag_a, lbl_a, bid_a), (tag_b, lbl_b, bid_b))
    sems = (sem0, sem1)

    zeros = jnp.zeros((16,), jnp.float32)

    @plsc.parallel_loop(0, 3 * NUM_SEG, 1, unroll=16)
    def _(j):
        acc_v[pl.ds(j * 16, 16)] = zeros

    ones = jnp.ones((16,), jnp.float32)

    def start(ci):
        off = base + ci * _CHUNK
        tv, lv, bv = bufs[ci % 2]
        sem = sems[ci % 2]
        return (
            pltpu.async_copy(tags_hbm.at[pl.ds(off, _CHUNK)], tv, sem),
            pltpu.async_copy(lbl_hbm.at[pl.ds(off, _CHUNK)], lv, sem),
            pltpu.async_copy(bidx_hbm.at[pl.ds(off, _CHUNK)], bv, sem),
        )

    pending = {0: start(0)}
    for ci in range(_NCHUNK):
        tv, lv, bv = bufs[ci % 2]
        if ci + 1 < _NCHUNK:
            pending[ci + 1] = start(ci + 1)
        for h in pending.pop(ci):
            h.wait()

        lane = lax.iota(jnp.int32, 16)

        @plsc.parallel_loop(0, _CHUNK, 16, unroll=4)
        def _(o):
            t = tv[pl.ds(o, 16)]
            lb = lv[pl.ds(o, 16)]
            bx = bv[pl.ds(o, 16)]
            sid = (bx * NUM_PERSONS + lb) * 16 + lane
            plsc.addupdate_scatter(acc_v, [sid], ones)
            plsc.addupdate_scatter(acc_v, [sid + NUM_SEG * 16], t)
            plsc.addupdate_scatter(acc_v, [sid + 2 * NUM_SEG * 16], t * t)

    lane2 = lax.iota(jnp.int32, 16)

    @plsc.parallel_loop(0, 3 * NUM_SEG // 16, 1, unroll=2)
    def _(g):
        outv = jnp.zeros((16,), jnp.float32)
        for l in range(16):
            v = acc_v[pl.ds(g * 256 + l * 16, 16)]
            outv = jnp.where(lane2 == l, jnp.sum(v), outv)
        fold_v[pl.ds(g * 16, 16)] = outv

    for k in range(3):
        pltpu.sync_copy(fold_v.at[pl.ds(k * NUM_SEG, NUM_SEG)],
                        out_hbm.at[k, wid])


@jax.jit
def _sc_stats(tags, lbl, bidx):
    mesh = plsc.VectorSubcoreMesh(core_axis_name="c", subcore_axis_name="s")
    f = functools.partial(
        pl.kernel,
        mesh=mesh,
        out_type=jax.ShapeDtypeStruct((3, _NW, NUM_SEG), jnp.float32),
        scratch_types=[
            pltpu.VMEM((_CHUNK,), jnp.float32),
            pltpu.VMEM((_CHUNK,), jnp.float32),
            pltpu.VMEM((_CHUNK,), jnp.int32),
            pltpu.VMEM((_CHUNK,), jnp.int32),
            pltpu.VMEM((_CHUNK,), jnp.int32),
            pltpu.VMEM((_CHUNK,), jnp.int32),
            pltpu.VMEM((3 * NUM_SEG * 16,), jnp.float32),
            pltpu.VMEM((3 * NUM_SEG,), jnp.float32),
            pltpu.SemaphoreType.DMA,
            pltpu.SemaphoreType.DMA,
        ],
        compiler_params=pltpu.CompilerParams(needs_layout_passes=False),
    )(_sc_stats_kernel)
    return f(tags, lbl, bidx)


def _finalize_body(x_ref, push_ref, pull_ref):
    x = x_ref[...]
    cnt = jnp.sum(x[0], axis=0)
    s1 = jnp.sum(x[1], axis=0)
    s2 = jnp.sum(x[2], axis=0)

    safe = jnp.maximum(cnt, 1.0)
    t = jnp.where(cnt > 0, s1 / safe, 0.0)
    pidx = lax.broadcasted_iota(
        jnp.int32, (NUM_IMAGES, NUM_PERSONS), 1).astype(jnp.float32)
    mf = jnp.max(jnp.where(cnt > 0, pidx, -1.0), axis=1, keepdims=True) + 1.0
    meanq = jnp.where(cnt > 0, s2 / safe - t * t, 0.0)
    pull_raw = jnp.sum(meanq, axis=1, keepdims=True)
    pull = jnp.where(mf >= 1.0, pull_raw / jnp.maximum(mf, 1.0), 0.0)

    validf = (pidx < mf).astype(jnp.float32)
    acc = jnp.zeros((NUM_IMAGES, NUM_PERSONS), jnp.float32)
    for q in range(NUM_PERSONS):
        tq = lax.slice_in_dim(t, q, q + 1, axis=1)
        vq = lax.slice_in_dim(validf, q, q + 1, axis=1)
        d = t - tq
        acc = acc + jnp.exp(-(d * d)) * (validf * vq)
    push_raw = jnp.sum(acc, axis=1, keepdims=True) - mf
    push = jnp.where(mf <= 1.0, 0.0,
                     push_raw / jnp.maximum((mf - 1.0) * mf, 1.0) * 0.5)
    push_ref[...] = push
    pull_ref[...] = pull


def kernel(tags, person_label, batch_index):
    part = _sc_stats(tags, person_label, batch_index)
    part = part.reshape(3, _NW, NUM_IMAGES, NUM_PERSONS)
    push, pull = pl.pallas_call(
        _finalize_body,
        out_shape=[
            jax.ShapeDtypeStruct((NUM_IMAGES, 1), jnp.float32),
            jax.ShapeDtypeStruct((NUM_IMAGES, 1), jnp.float32),
        ],
    )(part)
    return push.reshape(NUM_IMAGES), pull.reshape(NUM_IMAGES)

# --- scband reference (transcript-rebuilt; emitter-appended) ---
"""Pipeline reference for scband-node-aeloss-50105088475385 (READ-ONLY COPY).

The authoritative reference and input builder live on the scoring server;
editing this copy changes nothing except your own understanding.
"""

import jax, jax.numpy as jnp
import numpy as np

N = 1600000
NUM_PERSONS = 32
NUM_IMAGES = 8


def setup_inputs(seed: int = 0) -> dict:
    key = jax.random.key(seed)
    k1, k2, k3 = jax.random.split(key, 3)
    tags = jax.random.normal(k1, (N,), dtype=jnp.float32)
    person_label = jax.random.randint(k2, (N,), 0, NUM_PERSONS, dtype=jnp.int32)
    batch_index = jax.random.randint(k3, (N,), 0, NUM_IMAGES, dtype=jnp.int32)
    return {"tags": tags, "person_label": person_label, "batch_index": batch_index}


def _segment_mean(vals, seg_ids, m, counts_f):
    sums = jax.ops.segment_sum(vals, seg_ids, num_segments=m)
    return jnp.where(counts_f > 0, sums / jnp.maximum(counts_f, 1.0), 0.0)


def _single_tag_loss(pred_tags, person_label, gmask, loss_type="exp"):
    seg = jnp.where(gmask, person_label, 0)
    counts_f = jax.ops.segment_sum(
        gmask.astype(jnp.float32), seg, num_segments=NUM_PERSONS
    )
    m = jnp.max(jnp.where(gmask, person_label, -1)) + 1
    mf = m.astype(jnp.float32)
    t = _segment_mean(
        jnp.where(gmask, pred_tags, 0.0), seg, NUM_PERSONS, counts_f
    )  # scatter_mean
    sq = (pred_tags - t[person_label]) ** 2
    pull = jnp.sum(
        _segment_mean(jnp.where(gmask, sq, 0.0), seg, NUM_PERSONS, counts_f)
    )
    valid = jnp.arange(NUM_PERSONS) < m
    pair = (valid[:, None] & valid[None, :]).astype(jnp.float32)
    diff = t[None, :] - t[:, None]
    if loss_type == "exp":
        push = jnp.sum(jnp.exp(-(diff ** 2)) * pair) - mf
    elif loss_type == "max":
        push = jnp.sum(jnp.clip(1.0 - jnp.abs(diff), a_min=0.0) * pair) - mf
    else:
        raise ValueError("Unkown ae loss type")
    push = push / jnp.maximum((mf - 1.0) * mf, 1.0) * 0.5
    push = jnp.where(m <= 1, 0.0, push)
    pull = jnp.where(m >= 1, pull / jnp.maximum(mf, 1.0), 0.0)
    return push.astype(jnp.float32), pull.astype(jnp.float32)


def reference(tags, person_label, batch_index):
    batch_size = NUM_IMAGES
    pushes, pulls = [], []
    for i in range(batch_size):
        gmask = batch_index == i
        push, pull = _single_tag_loss(tags, person_label, gmask, loss_type="exp")
        pushes.append(push)
        pulls.append(pull)
    return (jnp.stack(pushes), jnp.stack(pulls))

if __name__ == "__main__":
    import jax
    _d = setup_inputs()
    print(jax.jit(kernel)(*tuple(_d.values())))

</pallas_src>

<mosaic_0001>
#map = affine_map<(d0, d1) -> (0)>
#map1 = affine_map<(d0, d1) -> (0, 0, 0)>
module attributes {stable_mosaic.version = 14 : i64} {
  func.func @_sc_stats_kernel(%arg0: i32, %arg1: i32, %arg2: memref<1600000xf32, #tpu.memory_space<hbm>>, %arg3: memref<1600000xi32, #tpu.memory_space<hbm>>, %arg4: memref<1600000xi32, #tpu.memory_space<hbm>>, %arg5: memref<3x32x256xf32, #tpu.memory_space<hbm>>, %arg6: memref<10000xf32, #tpu.memory_space<vmem>>, %arg7: memref<10000xf32, #tpu.memory_space<vmem>>, %arg8: memref<10000xi32, #tpu.memory_space<vmem>>, %arg9: memref<10000xi32, #tpu.memory_space<vmem>>, %arg10: memref<10000xi32, #tpu.memory_space<vmem>>, %arg11: memref<10000xi32, #tpu.memory_space<vmem>>, %arg12: memref<12288xf32, #tpu.memory_space<vmem>>, %arg13: memref<768xf32, #tpu.memory_space<vmem>>, %arg14: memref<!tpu.dma_semaphore, #tpu.memory_space<semaphore_mem>>, %arg15: memref<!tpu.dma_semaphore, #tpu.memory_space<semaphore_mem>>) attributes {dimension_semantics = [#tpu.dimension_semantics<core_parallel>, #tpu.dimension_semantics<subcore_parallel>], iteration_bounds = array<i64: 2, 16>, scalar_prefetch = 0 : i64, scratch_operands = 10 : i64, tpu.core_type = #tpu.core_type<sc_vector_subcore>, window_params = [{transform_indices = #map}, {transform_indices = #map}, {transform_indices = #map}, {transform_indices = #map1}]} {
    %mul3A = arith.constant 2 : i32
    %mul3A_0 = arith.muli %arg1, %mul3A : i32
    %add3A = arith.addi %mul3A_0, %arg0 : i32
    %mul3A_1 = arith.constant 50000 : i32
    %mul3A_2 = arith.muli %add3A, %mul3A_1 : i32
    %broadcast_in_dim3A = arith.constant 0.000000e+00 : f32
    %broadcast_in_dim3A_3 = vector.broadcast %broadcast_in_dim3A : f32 to vector<16xf32>
    %parallel_loop3A = arith.constant 0 : i32
    %parallel_loop3A_4 = arith.constant 768 : i32
    %parallel_loop3A_5 = arith.constant 1 : i32
    scf.for %parallel_loop3A_101 = %parallel_loop3A to %parallel_loop3A_4 step %parallel_loop3A_5  : i32 {
      %parallel_loop3A_102 = arith.constant 16 : i32
      %parallel_loop3A_103 = arith.muli %parallel_loop3A_101, %parallel_loop3A_102 : i32
      %parallel_loop3A_104 = arith.index_cast %parallel_loop3A_103 : i32 to index
      %parallel_loop3A_105 = tpu.vector_load %arg12[%parallel_loop3A_104] {strides = array<i32>} : memref<12288xf32, #tpu.memory_space<vmem>>, vector<16xf32>,
      tpu.vector_store %arg12[%parallel_loop3A_104], %broadcast_in_dim3A_3 {strides = array<i32>} : memref<12288xf32, #tpu.memory_space<vmem>>, vector<16xf32>,
    } {sc.loop_unroll_factor = 16 : i64, sc.parallel_access}
    %broadcast_in_dim3A_6 = arith.constant 1.000000e+00 : f32
    %broadcast_in_dim3A_7 = vector.broadcast %broadcast_in_dim3A_6 : f32 to vector<16xf32>
    %add3A_8 = arith.constant 0 : i32
    %add3A_9 = arith.addi %mul3A_2, %add3A_8 : i32
    %dma_start3A = tpu.memref_slice %arg2[%add3A_9] : memref<1600000xf32, #tpu.memory_space<hbm>> -> memref<10000xf32, #tpu.memory_space<hbm>>
    %dma_start3A_10 = tpu.memref_slice %arg2[%add3A_9] : memref<1600000xf32, #tpu.memory_space<hbm>> -> memref<10000xf32, #tpu.memory_space<hbm>>
    tpu.enqueue_dma source(%dma_start3A_10 : memref<10000xf32, #tpu.memory_space<hbm>>) target(%arg6 : memref<10000xf32, #tpu.memory_space<vmem>>) target_semaphore(%arg14 : memref<!tpu.dma_semaphore, #tpu.memory_space<semaphore_mem>>)
    %dma_start3A_11 = tpu.memref_slice %arg3[%add3A_9] : memref<1600000xi32, #tpu.memory_space<hbm>> -> memref<10000xi32, #tpu.memory_space<hbm>>
    %dma_start3A_12 = tpu.memref_slice %arg3[%add3A_9] : memref<1600000xi32, #tpu.memory_space<hbm>> -> memref<10000xi32, #tpu.memory_space<hbm>>
    tpu.enqueue_dma source(%dma_start3A_12 : memref<10000xi32, #tpu.memory_space<hbm>>) target(%arg8 : memref<10000xi32, #tpu.memory_space<vmem>>) target_semaphore(%arg14 : memref<!tpu.dma_semaphore, #tpu.memory_space<semaphore_mem>>)
    %dma_start3A_13 = tpu.memref_slice %arg4[%add3A_9] : memref<1600000xi32, #tpu.memory_space<hbm>> -> memref<10000xi32, #tpu.memory_space<hbm>>
    %dma_start3A_14 = tpu.memref_slice %arg4[%add3A_9] : memref<1600000xi32, #tpu.memory_space<hbm>> -> memref<10000xi32, #tpu.memory_space<hbm>>
    tpu.enqueue_dma source(%dma_start3A_14 : memref<10000xi32, #tpu.memory_space<hbm>>) target(%arg10 : memref<10000xi32, #tpu.memory_space<vmem>>) target_semaphore(%arg14 : memref<!tpu.dma_semaphore, #tpu.memory_space<semaphore_mem>>)
    %add3A_15 = arith.constant 10000 : i32
    %add3A_16 = arith.addi %mul3A_2, %add3A_15 : i32
    %dma_start3A_17 = tpu.memref_slice %arg2[%add3A_16] : memref<1600000xf32, #tpu.memory_space<hbm>> -> memref<10000xf32, #tpu.memory_space<hbm>>
    %dma_start3A_18 = tpu.memref_slice %arg2[%add3A_16] : memref<1600000xf32, #tpu.memory_space<hbm>> -> memref<10000xf32, #tpu.memory_space<hbm>>
    tpu.enqueue_dma source(%dma_start3A_18 : memref<10000xf32, #tpu.memory_space<hbm>>) target(%arg7 : memref<10000xf32, #tpu.memory_space<vmem>>) target_semaphore(%arg15 : memref<!tpu.dma_semaphore, #tpu.memory_space<semaphore_mem>>)
    %dma_start3A_19 = tpu.memref_slice %arg3[%add3A_16] : memref<1600000xi32, #tpu.memory_space<hbm>> -> memref<10000xi32, #tpu.memory_space<hbm>>
    %dma_start3A_20 = tpu.memref_slice %arg3[%add3A_16] : memref<1600000xi32, #tpu.memory_space<hbm>> -> memref<10000xi32, #tpu.memory_space<hbm>>
    tpu.enqueue_dma source(%dma_start3A_20 : memref<10000xi32, #tpu.memory_space<hbm>>) target(%arg9 : memref<10000xi32, #tpu.memory_space<vmem>>) target_semaphore(%arg15 : memref<!tpu.dma_semaphore, #tpu.memory_space<semaphore_mem>>)
    %dma_start3A_21 = tpu.memref_slice %arg4[%add3A_16] : memref<1600000xi32, #tpu.memory_space<hbm>> -> memref<10000xi32, #tpu.memory_space<hbm>>
    %dma_start3A_22 = tpu.memref_slice %arg4[%add3A_16] : memref<1600000xi32, #tpu.memory_space<hbm>> -> memref<10000xi32, #tpu.memory_space<hbm>>
    tpu.enqueue_dma source(%dma_start3A_22 : memref<10000xi32, #tpu.memory_space<hbm>>) target(%arg11 : memref<10000xi32, #tpu.memory_space<vmem>>) target_semaphore(%arg15 : memref<!tpu.dma_semaphore, #tpu.memory_space<semaphore_mem>>)
    %dma_wait3A = tpu.memref_slice %arg2[%add3A_9] : memref<1600000xf32, #tpu.memory_space<hbm>> -> memref<10000xf32, #tpu.memory_space<hbm>>
    %dma_wait3A_23 = tpu.memref_slice %arg2[%add3A_9] : memref<1600000xf32, #tpu.memory_space<hbm>> -> memref<10000xf32, #tpu.memory_space<hbm>>
    tpu.wait_dma2 semaphore(%arg14 : memref<!tpu.dma_semaphore, #tpu.memory_space<semaphore_mem>>) src(%dma_wait3A_23 : memref<10000xf32, #tpu.memory_space<hbm>>) dst(%arg6 : memref<10000xf32, #tpu.memory_space<vmem>>)
    %dma_wait3A_24 = tpu.memref_slice %arg3[%add3A_9] : memref<1600000xi32, #tpu.memory_space<hbm>> -> memref<10000xi32, #tpu.memory_space<hbm>>
    %dma_wait3A_25 = tpu.memref_slice %arg3[%add3A_9] : memref<1600000xi32, #tpu.memory_space<hbm>> -> memref<10000xi32, #tpu.memory_space<hbm>>
    tpu.wait_dma2 semaphore(%arg14 : memref<!tpu.dma_semaphore, #tpu.memory_space<semaphore_mem>>) src(%dma_wait3A_25 : memref<10000xi32, #tpu.memory_space<hbm>>) dst(%arg8 : memref<10000xi32, #tpu.memory_space<vmem>>)
    %dma_wait3A_26 = tpu.memref_slice %arg4[%add3A_9] : memref<1600000xi32, #tpu.memory_space<hbm>> -> memref<10000xi32, #tpu.memory_space<hbm>>
    %dma_wait3A_27 = tpu.memref_slice %arg4[%add3A_9] : memref<1600000xi32, #tpu.memory_space<hbm>> -> memref<10000xi32, #tpu.memory_space<hbm>>
    tpu.wait_dma2 semaphore(%arg14 : memref<!tpu.dma_semaphore, #tpu.memory_space<semaphore_mem>>) src(%dma_wait3A_27 : memref<10000xi32, #tpu.memory_space<hbm>>) dst(%arg10 : memref<10000xi32, #tpu.memory_space<vmem>>)
    %iota3A = tpu.iota {dimensions = array<i32: 0>} : vector<16xi32>
    %parallel_loop3A_28 = arith.constant 0 : i32
    %parallel_loop3A_29 = arith.constant 10000 : i32
    %parallel_loop3A_30 = arith.constant 16 : i32
    scf.for %parallel_loop3A_101 = %parallel_loop3A_28 to %parallel_loop3A_29 step %parallel_loop3A_30  : i32 {
      %parallel_loop3A_102 = arith.index_cast %parallel_loop3A_101 : i32 to index
      %parallel_loop3A_103 = tpu.vector_load %arg6[%parallel_loop3A_102] {strides = array<i32>} : memref<10000xf32, #tpu.memory_space<vmem>>, vector<16xf32>,
      %parallel_loop3A_104 = arith.index_cast %parallel_loop3A_101 : i32 to index
      %parallel_loop3A_105 = tpu.vector_load %arg8[%parallel_loop3A_104] {strides = array<i32>} : memref<10000xi32, #tpu.memory_space<vmem>>, vector<16xi32>,
      %parallel_loop3A_106 = arith.index_cast %parallel_loop3A_101 : i32 to index
      %parallel_loop3A_107 = tpu.vector_load %arg10[%parallel_loop3A_106] {strides = array<i32>} : memref<10000xi32, #tpu.memory_space<vmem>>, vector<16xi32>,
      %parallel_loop3A_108 = arith.constant 32 : i32
      %parallel_loop3A_109 = vector.broadcast %parallel_loop3A_108 : i32 to vector<16xi32>
      %parallel_loop3A_110 = arith.muli %parallel_loop3A_107, %parallel_loop3A_109 : vector<16xi32>
      %parallel_loop3A_111 = arith.addi %parallel_loop3A_110, %parallel_loop3A_105 : vector<16xi32>
      %parallel_loop3A_112 = arith.constant 16 : i32
      %parallel_loop3A_113 = vector.broadcast %parallel_loop3A_112 : i32 to vector<16xi32>
      %parallel_loop3A_114 = arith.muli %parallel_loop3A_111, %parallel_loop3A_113 : vector<16xi32>
      %parallel_loop3A_115 = arith.addi %parallel_loop3A_114, %iota3A : vector<16xi32>
      tpu.vector_store_idx %arg12[%parallel_loop3A_115], %broadcast_in_dim3A_7 {add = true} : memref<12288xf32, #tpu.memory_space<vmem>>[vector<16xi32>], vector<16xf32>,
      %parallel_loop3A_116 = arith.constant 4096 : i32
      %parallel_loop3A_117 = vector.broadcast %parallel_loop3A_116 : i32 to vector<16xi32>
      %parallel_loop3A_118 = arith.addi %parallel_loop3A_115, %parallel_loop3A_117 : vector<16xi32>
      tpu.vector_store_idx %arg12[%parallel_loop3A_118], %parallel_loop3A_103 {add = true} : memref<12288xf32, #tpu.memory_space<vmem>>[vector<16xi32>], vector<16xf32>,
      %parallel_loop3A_119 = arith.constant 8192 : i32
      %parallel_loop3A_120 = vector.broadcast %parallel_loop3A_119 : i32 to vector<16xi32>
      %parallel_loop3A_121 = arith.addi %parallel_loop3A_115, %parallel_loop3A_120 : vector<16xi32>
      %parallel_loop3A_122 = arith.mulf %parallel_loop3A_103, %parallel_loop3A_103 : vector<16xf32>
      tpu.vector_store_idx %arg12[%parallel_loop3A_121], %parallel_loop3A_122 {add = true} : memref<12288xf32, #tpu.memory_space<vmem>>[vector<16xi32>], vector<16xf32>,
    } {sc.loop_unroll_factor = 4 : i64, sc.parallel_access}
    %add3A_31 = arith.constant 20000 : i32
    %add3A_32 = arith.addi %mul3A_2, %add3A_31 : i32
    %dma_start3A_33 = tpu.memref_slice %arg2[%add3A_32] : memref<1600000xf32, #tpu.memory_space<hbm>> -> memref<10000xf32, #tpu.memory_space<hbm>>
    %dma_start3A_34 = tpu.memref_slice %arg2[%add3A_32] : memref<1600000xf32, #tpu.memory_space<hbm>> -> memref<10000xf32, #tpu.memory_space<hbm>>
    tpu.enqueue_dma source(%dma_start3A_34 : memref<10000xf32, #tpu.memory_space<hbm>>) target(%arg6 : memref<10000xf32, #tpu.memory_space<vmem>>) target_semaphore(%arg14 : memref<!tpu.dma_semaphore, #tpu.memory_space<semaphore_mem>>)
    %dma_start3A_35 = tpu.memref_slice %arg3[%add3A_32] : memref<1600000xi32, #tpu.memory_space<hbm>> -> memref<10000xi32, #tpu.memory_space<hbm>>
    %dma_start3A_36 = tpu.memref_slice %arg3[%add3A_32] : memref<1600000xi32, #tpu.memory_space<hbm>> -> memref<10000xi32, #tpu.memory_space<hbm>>
    tpu.enqueue_dma source(%dma_start3A_36 : memref<10000xi32, #tpu.memory_space<hbm>>) target(%arg8 : memref<10000xi32, #tpu.memory_space<vmem>>) target_semaphore(%arg14 : memref<!tpu.dma_semaphore, #tpu.memory_space<semaphore_mem>>)
    %dma_start3A_37 = tpu.memref_slice %arg4[%add3A_32] : memref<1600000xi32, #tpu.memory_space<hbm>> -> memref<10000xi32, #tpu.memory_space<hbm>>
    %dma_start3A_38 = tpu.memref_slice %arg4[%add3A_32] : memref<1600000xi32, #tpu.memory_space<hbm>> -> memref<10000xi32, #tpu.memory_space<hbm>>
    tpu.enqueue_dma source(%dma_start3A_38 : memref<10000xi32, #tpu.memory_space<hbm>>) target(%arg10 : memref<10000xi32, #tpu.memory_space<vmem>>) target_semaphore(%arg14 : memref<!tpu.dma_semaphore, #tpu.memory_space<semaphore_mem>>)
    %dma_wait3A_39 = tpu.memref_slice %arg2[%add3A_16] : memref<1600000xf32, #tpu.memory_space<hbm>> -> memref<10000xf32, #tpu.memory_space<hbm>>
    %dma_wait3A_40 = tpu.memref_slice %arg2[%add3A_16] : memref<1600000xf32, #tpu.memory_space<hbm>> -> memref<10000xf32, #tpu.memory_space<hbm>>
    tpu.wait_dma2 semaphore(%arg15 : memref<!tpu.dma_semaphore, #tpu.memory_space<semaphore_mem>>) src(%dma_wait3A_40 : memref<10000xf32, #tpu.memory_space<hbm>>) dst(%arg7 : memref<10000xf32, #tpu.memory_space<vmem>>)
    %dma_wait3A_41 = tpu.memref_slice %arg3[%add3A_16] : memref<1600000xi32, #tpu.memory_space<hbm>> -> memref<10000xi32, #tpu.memory_space<hbm>>
    %dma_wait3A_42 = tpu.memref_slice %arg3[%add3A_16] : memref<1600000xi32, #tpu.memory_space<hbm>> -> memref<10000xi32, #tpu.memory_space<hbm>>
    tpu.wait_dma2 semaphore(%arg15 : memref<!tpu.dma_semaphore, #tpu.memory_space<semaphore_mem>>) src(%dma_wait3A_42 : memref<10000xi32, #tpu.memory_space<hbm>>) dst(%arg9 : memref<10000xi32, #tpu.memory_space<vmem>>)
    %dma_wait3A_43 = tpu.memref_slice %arg4[%add3A_16] : memref<1600000xi32, #tpu.memory_space<hbm>> -> memref<10000xi32, #tpu.memory_space<hbm>>
    %dma_wait3A_44 = tpu.memref_slice %arg4[%add3A_16] : memref<1600000xi32, #tpu.memory_space<hbm>> -> memref<10000xi32, #tpu.memory_space<hbm>>
    tpu.wait_dma2 semaphore(%arg15 : memref<!tpu.dma_semaphore, #tpu.memory_space<semaphore_mem>>) src(%dma_wait3A_44 : memref<10000xi32, #tpu.memory_space<hbm>>) dst(%arg11 : memref<10000xi32, #tpu.memory_space<vmem>>)
    %iota3A_45 = tpu.iota {dimensions = array<i32: 0>} : vector<16xi32>
    %parallel_loop3A_46 = arith.constant 0 : i32
    %parallel_loop3A_47 = arith.constant 10000 : i32
    %parallel_loop3A_48 = arith.constant 16 : i32
    scf.for %parallel_loop3A_101 = %parallel_loop3A_46 to %parallel_loop3A_47 step %parallel_loop3A_48  : i32 {
      %parallel_loop3A_102 = arith.index_cast %parallel_loop3A_101 : i32 to index
      %parallel_loop3A_103 = tpu.vector_load %arg7[%parallel_loop3A_102] {strides = array<i32>} : memref<10000xf32, #tpu.memory_space<vmem>>, vector<16xf32>,
      %parallel_loop3A_104 = arith.index_cast %parallel_loop3A_101 : i32 to index
      %parallel_loop3A_105 = tpu.vector_load %arg9[%parallel_loop3A_104] {strides = array<i32>} : memref<10000xi32, #tpu.memory_space<vmem>>, vector<16xi32>,
      %parallel_loop3A_106 = arith.index_cast %parallel_loop3A_101 : i32 to index
      %parallel_loop3A_107 = tpu.vector_load %arg11[%parallel_loop3A_106] {strides = array<i32>} : memref<10000xi32, #tpu.memory_space<vmem>>, vector<16xi32>,
      %parallel_loop3A_108 = arith.constant 32 : i32
      %parallel_loop3A_109 = vector.broadcast %parallel_loop3A_108 : i32 to vector<16xi32>
      %parallel_loop3A_110 = arith.muli %parallel_loop3A_107, %parallel_loop3A_109 : vector<16xi32>
      %parallel_loop3A_111 = arith.addi %parallel_loop3A_110, %parallel_loop3A_105 : vector<16xi32>
      %parallel_loop3A_112 = arith.constant 16 : i32
      %parallel_loop3A_113 = vector.broadcast %parallel_loop3A_112 : i32 to vector<16xi32>
      %parallel_loop3A_114 = arith.muli %parallel_loop3A_111, %parallel_loop3A_113 : vector<16xi32>
      %parallel_loop3A_115 = arith.addi %parallel_loop3A_114, %iota3A_45 : vector<16xi32>
      tpu.vector_store_idx %arg12[%parallel_loop3A_115], %broadcast_in_dim3A_7 {add = true} : memref<12288xf32, #tpu.memory_space<vmem>>[vector<16xi32>], vector<16xf32>,
      %parallel_loop3A_116 = arith.constant 4096 : i32
      %parallel_loop3A_117 = vector.broadcast %parallel_loop3A_116 : i32 to vector<16xi32>
      %parallel_loop3A_118 = arith.addi %parallel_loop3A_115, %parallel_loop3A_117 : vector<16xi32>
      tpu.vector_store_idx %arg12[%parallel_loop3A_118], %parallel_loop3A_103 {add = true} : memref<12288xf32, #tpu.memory_space<vmem>>[vector<16xi32>], vector<16xf32>,
      %parallel_loop3A_119 = arith.constant 8192 : i32
      %parallel_loop3A_120 = vector.broadcast %parallel_loop3A_119 : i32 to vector<16xi32>
      %parallel_loop3A_121 = arith.addi %parallel_loop3A_115, %parallel_loop3A_120 : vector<16xi32>
      %parallel_loop3A_122 = arith.mulf %parallel_loop3A_103, %parallel_loop3A_103 : vector<16xf32>
      tpu.vector_store_idx %arg12[%parallel_loop3A_121], %parallel_loop3A_122 {add = true} : memref<12288xf32, #tpu.memory_space<vmem>>[vector<16xi32>], vector<16xf32>,
    } {sc.loop_unroll_factor = 4 : i64, sc.parallel_access}
    %add3A_49 = arith.constant 30000 : i32
    %add3A_50 = arith.addi %mul3A_2, %add3A_49 : i32
    %dma_start3A_51 = tpu.memref_slice %arg2[%add3A_50] : memref<1600000xf32, #tpu.memory_space<hbm>> -> memref<10000xf32, #tpu.memory_space<hbm>>
    %dma_start3A_52 = tpu.memref_slice %arg2[%add3A_50] : memref<1600000xf32, #tpu.memory_space<hbm>> -> memref<10000xf32, #tpu.memory_space<hbm>>
    tpu.enqueue_dma source(%dma_start3A_52 : memref<10000xf32, #tpu.memory_space<hbm>>) target(%arg7 : memref<10000xf32, #tpu.memory_space<vmem>>) target_semaphore(%arg15 : memref<!tpu.dma_semaphore, #tpu.memory_space<semaphore_mem>>)
    %dma_start3A_53 = tpu.memref_slice %arg3[%add3A_50] : memref<1600000xi32, #tpu.memory_space<hbm>> -> memref<10000xi32, #tpu.memory_space<hbm>>
    %dma_start3A_54 = tpu.memref_slice %arg3[%add3A_50] : memref<1600000xi32, #tpu.memory_space<hbm>> -> memref<10000xi32, #tpu.memory_space<hbm>>
    tpu.enqueue_dma source(%dma_start3A_54 : memref<10000xi32, #tpu.memory_space<hbm>>) target(%arg9 : memref<10000xi32, #tpu.memory_space<vmem>>) target_semaphore(%arg15 : memref<!tpu.dma_semaphore, #tpu.memory_space<semaphore_mem>>)
    %dma_start3A_55 = tpu.memref_slice %arg4[%add3A_50] : memref<1600000xi32, #tpu.memory_space<hbm>> -> memref<10000xi32, #tpu.memory_space<hbm>>
    %dma_start3A_56 = tpu.memref_slice %arg4[%add3A_50] : memref<1600000xi32, #tpu.memory_space<hbm>> -> memref<10000xi32, #tpu.memory_space<hbm>>
    tpu.enqueue_dma source(%dma_start3A_56 : memref<10000xi32, #tpu.memory_space<hbm>>) target(%arg11 : memref<10000xi32, #tpu.memory_space<vmem>>) target_semaphore(%arg15 : memref<!tpu.dma_semaphore, #tpu.memory_space<semaphore_mem>>)
    %dma_wait3A_57 = tpu.memref_slice %arg2[%add3A_32] : memref<1600000xf32, #tpu.memory_space<hbm>> -> memref<10000xf32, #tpu.memory_space<hbm>>
    %dma_wait3A_58 = tpu.memref_slice %arg2[%add3A_32] : memref<1600000xf32, #tpu.memory_space<hbm>> -> memref<10000xf32, #tpu.memory_space<hbm>>
    tpu.wait_dma2 semaphore(%arg14 : memref<!tpu.dma_semaphore, #tpu.memory_space<semaphore_mem>>) src(%dma_wait3A_58 : memref<10000xf32, #tpu.memory_space<hbm>>) dst(%arg6 : memref<10000xf32, #tpu.memory_space<vmem>>)
    %dma_wait3A_59 = tpu.memref_slice %arg3[%add3A_32] : memref<1600000xi32, #tpu.memory_space<hbm>> -> memref<10000xi32, #tpu.memory_space<hbm>>
    %dma_wait3A_60 = tpu.memref_slice %arg3[%add3A_32] : memref<1600000xi32, #tpu.memory_space<hbm>> -> memref<10000xi32, #tpu.memory_space<hbm>>
    tpu.wait_dma2 semaphore(%arg14 : memref<!tpu.dma_semaphore, #tpu.memory_space<semaphore_mem>>) src(%dma_wait3A_60 : memref<10000xi32, #tpu.memory_space<hbm>>) dst(%arg8 : memref<10000xi32, #tpu.memory_space<vmem>>)
    %dma_wait3A_61 = tpu.memref_slice %arg4[%add3A_32] : memref<1600000xi32, #tpu.memory_space<hbm>> -> memref<10000xi32, #tpu.memory_space<hbm>>
    %dma_wait3A_62 = tpu.memref_slice %arg4[%add3A_32] : memref<1600000xi32, #tpu.memory_space<hbm>> -> memref<10000xi32, #tpu.memory_space<hbm>>
    tpu.wait_dma2 semaphore(%arg14 : memref<!tpu.dma_semaphore, #tpu.memory_space<semaphore_mem>>) src(%dma_wait3A_62 : memref<10000xi32, #tpu.memory_space<hbm>>) dst(%arg10 : memref<10000xi32, #tpu.memory_space<vmem>>)
    %iota3A_63 = tpu.iota {dimensions = array<i32: 0>} : vector<16xi32>
    %parallel_loop3A_64 = arith.constant 0 : i32
    %parallel_loop3A_65 = arith.constant 10000 : i32
    %parallel_loop3A_66 = arith.constant 16 : i32
    scf.for %parallel_loop3A_101 = %parallel_loop3A_64 to %parallel_loop3A_65 step %parallel_loop3A_66  : i32 {
      %parallel_loop3A_102 = arith.index_cast %parallel_loop3A_101 : i32 to index
      %parallel_loop3A_103 = tpu.vector_load %arg6[%parallel_loop3A_102] {strides = array<i32>} : memref<10000xf32, #tpu.memory_space<vmem>>, vector<16xf32>,
      %parallel_loop3A_104 = arith.index_cast %parallel_loop3A_101 : i32 to index
      %parallel_loop3A_105 = tpu.vector_load %arg8[%parallel_loop3A_104] {strides = array<i32>} : memref<10000xi32, #tpu.memory_space<vmem>>, vector<16xi32>,
      %parallel_loop3A_106 = arith.index_cast %parallel_loop3A_101 : i32 to index
      %parallel_loop3A_107 = tpu.vector_load %arg10[%parallel_loop3A_106] {strides = array<i32>} : memref<10000xi32, #tpu.memory_space<vmem>>, vector<16xi32>,
      %parallel_loop3A_108 = arith.constant 32 : i32
      %parallel_loop3A_109 = vector.broadcast %parallel_loop3A_108 : i32 to vector<16xi32>
      %parallel_loop3A_110 = arith.muli %parallel_loop3A_107, %parallel_loop3A_109 : vector<16xi32>
      %parallel_loop3A_111 = arith.addi %parallel_loop3A_110, %parallel_loop3A_105 : vector<16xi32>
      %parallel_loop3A_112 = arith.constant 16 : i32
      %parallel_loop3A_113 = vector.broadcast %parallel_loop3A_112 : i32 to vector<16xi32>
      %parallel_loop3A_114 = arith.muli %parallel_loop3A_111, %parallel_loop3A_113 : vector<16xi32>
      %parallel_loop3A_115 = arith.addi %parallel_loop3A_114, %iota3A_63 : vector<16xi32>
      tpu.vector_store_idx %arg12[%parallel_loop3A_115], %broadcast_in_dim3A_7 {add = true} : memref<12288xf32, #tpu.memory_space<vmem>>[vector<16xi32>], vector<16xf32>,
      %parallel_loop3A_116 = arith.constant 4096 : i32
      %parallel_loop3A_117 = vector.broadcast %parallel_loop3A_116 : i32 to vector<16xi32>
      %parallel_loop3A_118 = arith.addi %parallel_loop3A_115, %parallel_loop3A_117 : vector<16xi32>
      tpu.vector_store_idx %arg12[%parallel_loop3A_118], %parallel_loop3A_103 {add = true} : memref<12288xf32, #tpu.memory_space<vmem>>[vector<16xi32>], vector<16xf32>,
      %parallel_loop3A_119 = arith.constant 8192 : i32
      %parallel_loop3A_120 = vector.broadcast %parallel_loop3A_119 : i32 to vector<16xi32>
      %parallel_loop3A_121 = arith.addi %parallel_loop3A_115, %parallel_loop3A_120 : vector<16xi32>
      %parallel_loop3A_122 = arith.mulf %parallel_loop3A_103, %parallel_loop3A_103 : vector<16xf32>
      tpu.vector_store_idx %arg12[%parallel_loop3A_121], %parallel_loop3A_122 {add = true} : memref<12288xf32, #tpu.memory_space<vmem>>[vector<16xi32>], vector<16xf32>,
    } {sc.loop_unroll_factor = 4 : i64, sc.parallel_access}
    %add3A_67 = arith.constant 40000 : i32
    %add3A_68 = arith.addi %mul3A_2, %add3A_67 : i32
    %dma_start3A_69 = tpu.memref_slice %arg2[%add3A_68] : memref<1600000xf32, #tpu.memory_space<hbm>> -> memref<10000xf32, #tpu.memory_space<hbm>>
    %dma_start3A_70 = tpu.memref_slice %arg2[%add3A_68] : memref<1600000xf32, #tpu.memory_space<hbm>> -> memref<10000xf32, #tpu.memory_space<hbm>>
    tpu.enqueue_dma source(%dma_start3A_70 : memref<10000xf32, #tpu.memory_space<hbm>>) target(%arg6 : memref<10000xf32, #tpu.memory_space<vmem>>) target_semaphore(%arg14 : memref<!tpu.dma_semaphore, #tpu.memory_space<semaphore_mem>>)
    %dma_start3A_71 = tpu.memref_slice %arg3[%add3A_68] : memref<1600000xi32, #tpu.memory_space<hbm>> -> memref<10000xi32, #tpu.memory_space<hbm>>
    %dma_start3A_72 = tpu.memref_slice %arg3[%add3A_68] : memref<1600000xi32, #tpu.memory_space<hbm>> -> memref<10000xi32, #tpu.memory_space<hbm>>
    tpu.enqueue_dma source(%dma_start3A_72 : memref<10000xi32, #tpu.memory_space<hbm>>) target(%arg8 : memref<10000xi32, #tpu.memory_space<vmem>>) target_semaphore(%arg14 : memref<!tpu.dma_semaphore, #tpu.memory_space<semaphore_mem>>)
    %dma_start3A_73 = tpu.memref_slice %arg4[%add3A_68] : memref<1600000xi32, #tpu.memory_space<hbm>> -> memref<10000xi32, #tpu.memory_space<hbm>>
    %dma_start3A_74 = tpu.memref_slice %arg4[%add3A_68] : memref<1600000xi32, #tpu.memory_space<hbm>> -> memref<10000xi32, #tpu.memory_space<hbm>>
    tpu.enqueue_dma source(%dma_start3A_74 : memref<10000xi32, #tpu.memory_space<hbm>>) target(%arg10 : memref<10000xi32, #tpu.memory_space<vmem>>) target_semaphore(%arg14 : memref<!tpu.dma_semaphore, #tpu.memory_space<semaphore_mem>>)
    %dma_wait3A_75 = tpu.memref_slice %arg2[%add3A_50] : memref<1600000xf32, #tpu.memory_space<hbm>> -> memref<10000xf32, #tpu.memory_space<hbm>>
    %dma_wait3A_76 = tpu.memref_slice %arg2[%add3A_50] : memref<1600000xf32, #tpu.memory_space<hbm>> -> memref<10000xf32, #tpu.memory_space<hbm>>
    tpu.wait_dma2 semaphore(%arg15 : memref<!tpu.dma_semaphore, #tpu.memory_space<semaphore_mem>>) src(%dma_wait3A_76 : memref<10000xf32, #tpu.memory_space<hbm>>) dst(%arg7 : memref<10000xf32, #tpu.memory_space<vmem>>)
    %dma_wait3A_77 = tpu.memref_slice %arg3[%add3A_50] : memref<1600000xi32, #tpu.memory_space<hbm>> -> memref<10000xi32, #tpu.memory_space<hbm>>
    %dma_wait3A_78 = tpu.memref_slice %arg3[%add3A_50] : memref<1600000xi32, #tpu.memory_space<hbm>> -> memref<10000xi32, #tpu.memory_space<hbm>>
    tpu.wait_dma2 semaphore(%arg15 : memref<!tpu.dma_semaphore, #tpu.memory_space<semaphore_mem>>) src(%dma_wait3A_78 : memref<10000xi32, #tpu.memory_space<hbm>>) dst(%arg9 : memref<10000xi32, #tpu.memory_space<vmem>>)
    %dma_wait3A_79 = tpu.memref_slice %arg4[%add3A_50] : memref<1600000xi32, #tpu.memory_space<hbm>> -> memref<10000xi32, #tpu.memory_space<hbm>>
    %dma_wait3A_80 = tpu.memref_slice %arg4[%add3A_50] : memref<1600000xi32, #tpu.memory_space<hbm>> -> memref<10000xi32, #tpu.memory_space<hbm>>
    tpu.wait_dma2 semaphore(%arg15 : memref<!tpu.dma_semaphore, #tpu.memory_space<semaphore_mem>>) src(%dma_wait3A_80 : memref<10000xi32, #tpu.memory_space<hbm>>) dst(%arg11 : memref<10000xi32, #tpu.memory_space<vmem>>)
    %iota3A_81 = tpu.iota {dimensions = array<i32: 0>} : vector<16xi32>
    %parallel_loop3A_82 = arith.constant 0 : i32
    %parallel_loop3A_83 = arith.constant 10000 : i32
    %parallel_loop3A_84 = arith.constant 16 : i32
    scf.for %parallel_loop3A_101 = %parallel_loop3A_82 to %parallel_loop3A_83 step %parallel_loop3A_84  : i32 {
      %parallel_loop3A_102 = arith.index_cast %parallel_loop3A_101 : i32 to index
      %parallel_loop3A_103 = tpu.vector_load %arg7[%parallel_loop3A_102] {strides = array<i32>} : memref<10000xf32, #tpu.memory_space<vmem>>, vector<16xf32>,
      %parallel_loop3A_104 = arith.index_cast %parallel_loop3A_101 : i32 to index
      %parallel_loop3A_105 = tpu.vector_load %arg9[%parallel_loop3A_104] {strides = array<i32>} : memref<10000xi32, #tpu.memory_space<vmem>>, vector<16xi32>,
      %parallel_loop3A_106 = arith.index_cast %parallel_loop3A_101 : i32 to index
      %parallel_loop3A_107 = tpu.vector_load %arg11[%parallel_loop3A_106] {strides = array<i32>} : memref<10000xi32, #tpu.memory_space<vmem>>, vector<16xi32>,
      %parallel_loop3A_108 = arith.constant 32 : i32
      %parallel_loop3A_109 = vector.broadcast %parallel_loop3A_108 : i32 to vector<16xi32>
      %parallel_loop3A_110 = arith.muli %parallel_loop3A_107, %parallel_loop3A_109 : vector<16xi32>
      %parallel_loop3A_111 = arith.addi %parallel_loop3A_110, %parallel_loop3A_105 : vector<16xi32>
      %parallel_loop3A_112 = arith.constant 16 : i32
      %parallel_loop3A_113 = vector.broadcast %parallel_loop3A_112 : i32 to vector<16xi32>
      %parallel_loop3A_114 = arith.muli %parallel_loop3A_111, %parallel_loop3A_113 : vector<16xi32>
      %parallel_loop3A_115 = arith.addi %parallel_loop3A_114, %iota3A_81 : vector<16xi32>
      tpu.vector_store_idx %arg12[%parallel_loop3A_115], %broadcast_in_dim3A_7 {add = true} : memref<12288xf32, #tpu.memory_space<vmem>>[vector<16xi32>], vector<16xf32>,
      %parallel_loop3A_116 = arith.constant 4096 : i32
      %parallel_loop3A_117 = vector.broadcast %parallel_loop3A_116 : i32 to vector<16xi32>
      %parallel_loop3A_118 = arith.addi %parallel_loop3A_115, %parallel_loop3A_117 : vector<16xi32>
      tpu.vector_store_idx %arg12[%parallel_loop3A_118], %parallel_loop3A_103 {add = true} : memref<12288xf32, #tpu.memory_space<vmem>>[vector<16xi32>], vector<16xf32>,
      %parallel_loop3A_119 = arith.constant 8192 : i32
      %parallel_loop3A_120 = vector.broadcast %parallel_loop3A_119 : i32 to vector<16xi32>
      %parallel_loop3A_121 = arith.addi %parallel_loop3A_115, %parallel_loop3A_120 : vector<16xi32>
      %parallel_loop3A_122 = arith.mulf %parallel_loop3A_103, %parallel_loop3A_103 : vector<16xf32>
      tpu.vector_store_idx %arg12[%parallel_loop3A_121], %parallel_loop3A_122 {add = true} : memref<12288xf32, #tpu.memory_space<vmem>>[vector<16xi32>], vector<16xf32>,
    } {sc.loop_unroll_factor = 4 : i64, sc.parallel_access}
    %dma_wait3A_85 = tpu.memref_slice %arg2[%add3A_68] : memref<1600000xf32, #tpu.memory_space<hbm>> -> memref<10000xf32, #tpu.memory_space<hbm>>
    %dma_wait3A_86 = tpu.memref_slice %arg2[%add3A_68] : memref<1600000xf32, #tpu.memory_space<hbm>> -> memref<10000xf32, #tpu.memory_space<hbm>>
    tpu.wait_dma2 semaphore(%arg14 : memref<!tpu.dma_semaphore, #tpu.memory_space<semaphore_mem>>) src(%dma_wait3A_86 : memref<10000xf32, #tpu.memory_space<hbm>>) dst(%arg6 : memref<10000xf32, #tpu.memory_space<vmem>>)
    %dma_wait3A_87 = tpu.memref_slice %arg3[%add3A_68] : memref<1600000xi32, #tpu.memory_space<hbm>> -> memref<10000xi32, #tpu.memory_space<hbm>>
    %dma_wait3A_88 = tpu.memref_slice %arg3[%add3A_68] : memref<1600000xi32, #tpu.memory_space<hbm>> -> memref<10000xi32, #tpu.memory_space<hbm>>
    tpu.wait_dma2 semaphore(%arg14 : memref<!tpu.dma_semaphore, #tpu.memory_space<semaphore_mem>>) src(%dma_wait3A_88 : memref<10000xi32, #tpu.memory_space<hbm>>) dst(%arg8 : memref<10000xi32, #tpu.memory_space<vmem>>)
    %dma_wait3A_89 = tpu.memref_slice %arg4[%add3A_68] : memref<1600000xi32, #tpu.memory_space<hbm>> -> memref<10000xi32, #tpu.memory_space<hbm>>
    %dma_wait3A_90 = tpu.memref_slice %arg4[%add3A_68] : memref<1600000xi32, #tpu.memory_space<hbm>> -> memref<10000xi32, #tpu.memory_space<hbm>>
    tpu.wait_dma2 semaphore(%arg14 : memref<!tpu.dma_semaphore, #tpu.memory_space<semaphore_mem>>) src(%dma_wait3A_90 : memref<10000xi32, #tpu.memory_space<hbm>>) dst(%arg10 : memref<10000xi32, #tpu.memory_space<vmem>>)
    %iota3A_91 = tpu.iota {dimensions = array<i32: 0>} : vector<16xi32>
    %parallel_loop3A_92 = arith.constant 0 : i32
    %parallel_loop3A_93 = arith.constant 10000 : i32
    %parallel_loop3A_94 = arith.constant 16 : i32
    scf.for %parallel_loop3A_101 = %parallel_loop3A_92 to %parallel_loop3A_93 step %parallel_loop3A_94  : i32 {
      %parallel_loop3A_102 = arith.index_cast %parallel_loop3A_101 : i32 to index
      %parallel_loop3A_103 = tpu.vector_load %arg6[%parallel_loop3A_102] {strides = array<i32>} : memref<10000xf32, #tpu.memory_space<vmem>>, vector<16xf32>,
      %parallel_loop3A_104 = arith.index_cast %parallel_loop3A_101 : i32 to index
      %parallel_loop3A_105 = tpu.vector_load %arg8[%parallel_loop3A_104] {strides = array<i32>} : memref<10000xi32, #tpu.memory_space<vmem>>, vector<16xi32>,
      %parallel_loop3A_106 = arith.index_cast %parallel_loop3A_101 : i32 to index
      %parallel_loop3A_107 = tpu.vector_load %arg10[%parallel_loop3A_106] {strides = array<i32>} : memref<10000xi32, #tpu.memory_space<vmem>>, vector<16xi32>,
      %parallel_loop3A_108 = arith.constant 32 : i32
      %parallel_loop3A_109 = vector.broadcast %parallel_loop3A_108 : i32 to vector<16xi32>
      %parallel_loop3A_110 = arith.muli %parallel_loop3A_107, %parallel_loop3A_109 : vector<16xi32>
      %parallel_loop3A_111 = arith.addi %parallel_loop3A_110, %parallel_loop3A_105 : vector<16xi32>
      %parallel_loop3A_112 = arith.constant 16 : i32
      %parallel_loop3A_113 = vector.broadcast %parallel_loop3A_112 : i32 to vector<16xi32>
      %parallel_loop3A_114 = arith.muli %parallel_loop3A_111, %parallel_loop3A_113 : vector<16xi32>
      %parallel_loop3A_115 = arith.addi %parallel_loop3A_114, %iota3A_91 : vector<16xi32>
      tpu.vector_store_idx %arg12[%parallel_loop3A_115], %broadcast_in_dim3A_7 {add = true} : memref<12288xf32, #tpu.memory_space<vmem>>[vector<16xi32>], vector<16xf32>,
      %parallel_loop3A_116 = arith.constant 4096 : i32
      %parallel_loop3A_117 = vector.broadcast %parallel_loop3A_116 : i32 to vector<16xi32>
      %parallel_loop3A_118 = arith.addi %parallel_loop3A_115, %parallel_loop3A_117 : vector<16xi32>
      tpu.vector_store_idx %arg12[%parallel_loop3A_118], %parallel_loop3A_103 {add = true} : memref<12288xf32, #tpu.memory_space<vmem>>[vector<16xi32>], vector<16xf32>,
      %parallel_loop3A_119 = arith.constant 8192 : i32
      %parallel_loop3A_120 = vector.broadcast %parallel_loop3A_119 : i32 to vector<16xi32>
      %parallel_loop3A_121 = arith.addi %parallel_loop3A_115, %parallel_loop3A_120 : vector<16xi32>
      %parallel_loop3A_122 = arith.mulf %parallel_loop3A_103, %parallel_loop3A_103 : vector<16xf32>
      tpu.vector_store_idx %arg12[%parallel_loop3A_121], %parallel_loop3A_122 {add = true} : memref<12288xf32, #tpu.memory_space<vmem>>[vector<16xi32>], vector<16xf32>,
    } {sc.loop_unroll_factor = 4 : i64, sc.parallel_access}
    %iota3A_95 = tpu.iota {dimensions = array<i32: 0>} : vector<16xi32>
    %parallel_loop3A_96 = arith.constant 0 : i32
    %parallel_loop3A_97 = arith.constant 48 : i32
    %parallel_loop3A_98 = arith.constant 1 : i32
    scf.for %parallel_loop3A_101 = %parallel_loop3A_96 to %parallel_loop3A_97 step %parallel_loop3A_98  : i32 {
      %parallel_loop3A_102 = arith.constant 0.000000e+00 : f32
      %parallel_loop3A_103 = vector.broadcast %parallel_loop3A_102 : f32 to vector<16xf32>
      %parallel_loop3A_104 = arith.constant 256 : i32
      %parallel_loop3A_105 = arith.muli %parallel_loop3A_101, %parallel_loop3A_104 : i32
      %parallel_loop3A_106 = arith.constant 0 : i32
      %parallel_loop3A_107 = arith.addi %parallel_loop3A_105, %parallel_loop3A_106 : i32
      %parallel_loop3A_108 = arith.index_cast %parallel_loop3A_107 : i32 to index
      %parallel_loop3A_109 = tpu.vector_load %arg12[%parallel_loop3A_108] {strides = array<i32>} : memref<12288xf32, #tpu.memory_space<vmem>>, vector<16xf32>,
      %parallel_loop3A_110 = arith.constant 0 : i32
      %parallel_loop3A_111 = vector.broadcast %parallel_loop3A_110 : i32 to vector<16xi32>
      %parallel_loop3A_112 = arith.cmpi eq, %iota3A_95, %parallel_loop3A_111 : vector<16xi32>
      %parallel_loop3A_113 = arith.constant true
      %parallel_loop3A_114 = vector.broadcast %parallel_loop3A_113 : i1 to vector<16xi1>
      %parallel_loop3A_115 = tpu.scan <sum>, %parallel_loop3A_109 masked %parallel_loop3A_114 : vector<16xf32>, vector<16xi1> -> vector<16xf32>
      %parallel_loop3A_116 = vector.extract %parallel_loop3A_115[15] : f32 from vector<16xf32>
      %parallel_loop3A_117 = vector.broadcast %parallel_loop3A_116 : f32 to vector<16xf32>
      %parallel_loop3A_118 = arith.select %parallel_loop3A_112, %parallel_loop3A_117, %parallel_loop3A_103 : vector<16xi1>, vector<16xf32>
      %parallel_loop3A_119 = arith.constant 256 : i32
      %parallel_loop3A_120 = arith.muli %parallel_loop3A_101, %parallel_loop3A_119 : i32
      %parallel_loop3A_121 = arith.constant 16 : i32
      %parallel_loop3A_122 = arith.addi %parallel_loop3A_120, %parallel_loop3A_121 : i32
      %parallel_loop3A_123 = arith.index_cast %parallel_loop3A_122 : i32 to index
      %parallel_loop3A_124 = tpu.vector_load %arg12[%parallel_loop3A_123] {strides = array<i32>} : memref<12288xf32, #tpu.memory_space<vmem>>, vector<16xf32>,
      %parallel_loop3A_125 = arith.constant 1 : i32
      %parallel_loop3A_126 = vector.broadcast %parallel_loop3A_125 : i32 to vector<16xi32>
      %parallel_loop3A_127 = arith.cmpi eq, %iota3A_95, %parallel_loop3A_126 : vector<16xi32>
      %parallel_loop3A_128 = arith.constant true
      %parallel_loop3A_129 = vector.broadcast %parallel_loop3A_128 : i1 to vector<16xi1>
      %parallel_loop3A_130 = tpu.scan <sum>, %parallel_loop3A_124 masked %parallel_loop3A_129 : vector<16xf32>, vector<16xi1> -> vector<16xf32>
      %parallel_loop3A_131 = vector.extract %parallel_loop3A_130[15] : f32 from vector<16xf32>
      %parallel_loop3A_132 = vector.broadcast %parallel_loop3A_131 : f32 to vector<16xf32>
      %parallel_loop3A_133 = arith.select %parallel_loop3A_127, %parallel_loop3A_132, %parallel_loop3A_118 : vector<16xi1>, vector<16xf32>
      %parallel_loop3A_134 = arith.constant 256 : i32
      %parallel_loop3A_135 = arith.muli %parallel_loop3A_101, %parallel_loop3A_134 : i32
      %parallel_loop3A_136 = arith.constant 32 : i32
      %parallel_loop3A_137 = arith.addi %parallel_loop3A_135, %parallel_loop3A_136 : i32
      %parallel_loop3A_138 = arith.index_cast %parallel_loop3A_137 : i32 to index
      %parallel_loop3A_139 = tpu.vector_load %arg12[%parallel_loop3A_138] {strides = array<i32>} : memref<12288xf32, #tpu.memory_space<vmem>>, vector<16xf32>,
      %parallel_loop3A_140 = arith.constant 2 : i32
      %parallel_loop3A_141 = vector.broadcast %parallel_loop3A_140 : i32 to vector<16xi32>
      %parallel_loop3A_142 = arith.cmpi eq, %iota3A_95, %parallel_loop3A_141 : vector<16xi32>
      %parallel_loop3A_143 = arith.constant true
      %parallel_loop3A_144 = vector.broadcast %parallel_loop3A_143 : i1 to vector<16xi1>
      %parallel_loop3A_145 = tpu.scan <sum>, %parallel_loop3A_139 masked %parallel_loop3A_144 : vector<16xf32>, vector<16xi1> -> vector<16xf32>
      %parallel_loop3A_146 = vector.extract %parallel_loop3A_145[15] : f32 from vector<16xf32>
      %parallel_loop3A_147 = vector.broadcast %parallel_loop3A_146 : f32 to vector<16xf32>
      %parallel_loop3A_148 = arith.select %parallel_loop3A_142, %parallel_loop3A_147, %parallel_loop3A_133 : vector<16xi1>, vector<16xf32>
      %parallel_loop3A_149 = arith.constant 256 : i32
      %parallel_loop3A_150 = arith.muli %parallel_loop3A_101, %parallel_loop3A_149 : i32
      %parallel_loop3A_151 = arith.constant 48 : i32
      %parallel_loop3A_152 = arith.addi %parallel_loop3A_150, %parallel_loop3A_151 : i32
      %parallel_loop3A_153 = arith.index_cast %parallel_loop3A_152 : i32 to index
      %parallel_loop3A_154 = tpu.vector_load %arg12[%parallel_loop3A_153] {strides = array<i32>} : memref<12288xf32, #tpu.memory_space<vmem>>, vector<16xf32>,
      %parallel_loop3A_155 = arith.constant 3 : i32
      %parallel_loop3A_156 = vector.broadcast %parallel_loop3A_155 : i32 to vector<16xi32>
      %parallel_loop3A_157 = arith.cmpi eq, %iota3A_95, %parallel_loop3A_156 : vector<16xi32>
      %parallel_loop3A_158 = arith.constant true
      %parallel_loop3A_159 = vector.broadcast %parallel_loop3A_158 : i1 to vector<16xi1>
      %parallel_loop3A_160 = tpu.scan <sum>, %parallel_loop3A_154 masked %parallel_loop3A_159 : vector<16xf32>, vector<16xi1> -> vector<16xf32>
      %parallel_loop3A_161 = vector.extract %parallel_loop3A_160[15] : f32 from vector<16xf32>
      %parallel_loop3A_162 = vector.broadcast %parallel_loop3A_161 : f32 to vector<16xf32>
      %parallel_loop3A_163 = arith.select %parallel_loop3A_157, %parallel_loop3A_162, %parallel_loop3A_148 : vector<16xi1>, vector<16xf32>
      %parallel_loop3A_164 = arith.constant 256 : i32
      %parallel_loop3A_165 = arith.muli %parallel_loop3A_101, %parallel_loop3A_164 : i32
      %parallel_loop3A_166 = arith.constant 64 : i32
      %parallel_loop3A_167 = arith.addi %parallel_loop3A_165, %parallel_loop3A_166 : i32
      %parallel_loop3A_168 = arith.index_cast %parallel_loop3A_167 : i32 to index
      %parallel_loop3A_169 = tpu.vector_load %arg12[%parallel_loop3A_168] {strides = array<i32>} : memref<12288xf32, #tpu.memory_space<vmem>>, vector<16xf32>,
      %parallel_loop3A_170 = arith.constant 4 : i32
      %parallel_loop3A_171 = vector.broadcast %parallel_loop3A_170 : i32 to vector<16xi32>
      %parallel_loop3A_172 = arith.cmpi eq, %iota3A_95, %parallel_loop3A_171 : vector<16xi32>
      %parallel_loop3A_173 = arith.constant true
      %parallel_loop3A_174 = vector.broadcast %parallel_loop3A_173 : i1 to vector<16xi1>
      %parallel_loop3A_175 = tpu.scan <sum>, %parallel_loop3A_169 masked %parallel_loop3A_174 : vector<16xf32>, vector<16xi1> -> vector<16xf32>
      %parallel_loop3A_176 = vector.extract %parallel_loop3A_175[15] : f32 from vector<16xf32>
      %parallel_loop3A_177 = vector.broadcast %parallel_loop3A_176 : f32 to vector<16xf32>
      %parallel_loop3A_178 = arith.select %parallel_loop3A_172, %parallel_loop3A_177, %parallel_loop3A_163 : vector<16xi1>, vector<16xf32>
      %parallel_loop3A_179 = arith.constant 256 : i32
      %parallel_loop3A_180 = arith.muli %parallel_loop3A_101, %parallel_loop3A_179 : i32
      %parallel_loop3A_181 = arith.constant 80 : i32
      %parallel_loop3A_182 = arith.addi %parallel_loop3A_180, %parallel_loop3A_181 : i32
      %parallel_loop3A_183 = arith.index_cast %parallel_loop3A_182 : i32 to index
      %parallel_loop3A_184 = tpu.vector_load %arg12[%parallel_loop3A_183] {strides = array<i32>} : memref<12288xf32, #tpu.memory_space<vmem>>, vector<16xf32>,
      %parallel_loop3A_185 = arith.constant 5 : i32
      %parallel_loop3A_186 = vector.broadcast %parallel_loop3A_185 : i32 to vector<16xi32>
      %parallel_loop3A_187 = arith.cmpi eq, %iota3A_95, %parallel_loop3A_186 : vector<16xi32>
      %parallel_loop3A_188 = arith.constant true
      %parallel_loop3A_189 = vector.broadcast %parallel_loop3A_188 : i1 to vector<16xi1>
      %parallel_loop3A_190 = tpu.scan <sum>, %parallel_loop3A_184 masked %parallel_loop3A_189 : vector<16xf32>, vector<16xi1> -> vector<16xf32>
      %parallel_loop3A_191 = vector.extract %parallel_loop3A_190[15] : f32 from vector<16xf32>
      %parallel_loop3A_192 = vector.broadcast %parallel_loop3A_191 : f32 to vector<16xf32>
      %parallel_loop3A_193 = arith.select %parallel_loop3A_187, %parallel_loop3A_192, %parallel_loop3A_178 : vector<16xi1>, vector<16xf32>
      %parallel_loop3A_194 = arith.constant 256 : i32
      %parallel_loop3A_195 = arith.muli %parallel_loop3A_101, %parallel_loop3A_194 : i32
      %parallel_loop3A_196 = arith.constant 96 : i32
      %parallel_loop3A_197 = arith.addi %parallel_loop3A_195, %parallel_loop3A_196 : i32
      %parallel_loop3A_198 = arith.index_cast %parallel_loop3A_197 : i32 to index
      %parallel_loop3A_199 = tpu.vector_load %arg12[%parallel_loop3A_198] {strides = array<i32>} : memref<12288xf32, #tpu.memory_space<vmem>>, vector<16xf32>,
      %parallel_loop3A_200 = arith.constant 6 : i32
      %parallel_loop3A_201 = vector.broadcast %parallel_loop3A_200 : i32 to vector<16xi32>
      %parallel_loop3A_202 = arith.cmpi eq, %iota3A_95, %parallel_loop3A_201 : vector<16xi32>
      %parallel_loop3A_203 = arith.constant true
      %parallel_loop3A_204 = vector.broadcast %parallel_loop3A_203 : i1 to vector<16xi1>
      %parallel_loop3A_205 = tpu.scan <sum>, %parallel_loop3A_199 masked %parallel_loop3A_204 : vector<16xf32>, vector<16xi1> -> vector<16xf32>
      %parallel_loop3A_206 = vector.extract %parallel_loop3A_205[15] : f32 from vector<16xf32>
      %parallel_loop3A_207 = vector.broadcast %parallel_loop3A_206 : f32 to vector<16xf32>
      %parallel_loop3A_208 = arith.select %parallel_loop3A_202, %parallel_loop3A_207, %parallel_loop3A_193 : vector<16xi1>, vector<16xf32>
      %parallel_loop3A_209 = arith.constant 256 : i32
      %parallel_loop3A_210 = arith.muli %parallel_loop3A_101, %parallel_loop3A_209 : i32
      %parallel_loop3A_211 = arith.constant 112 : i32
      %parallel_loop3A_212 = arith.addi %parallel_loop3A_210, %parallel_loop3A_211 : i32
      %parallel_loop3A_213 = arith.index_cast %parallel_loop3A_212 : i32 to index
      %parallel_loop3A_214 = tpu.vector_load %arg12[%parallel_loop3A_213] {strides = array<i32>} : memref<12288xf32, #tpu.memory_space<vmem>>, vector<16xf32>,
      %parallel_loop3A_215 = arith.constant 7 : i32
      %parallel_loop3A_216 = vector.broadcast %parallel_loop3A_215 : i32 to vector<16xi32>
      %parallel_loop3A_217 = arith.cmpi eq, %iota3A_95, %parallel_loop3A_216 : vector<16xi32>
      %parallel_loop3A_218 = arith.constant true
      %parallel_loop3A_219 = vector.broadcast %parallel_loop3A_218 : i1 to vector<16xi1>
      %parallel_loop3A_220 = tpu.scan <sum>, %parallel_loop3A_214 masked %parallel_loop3A_219 : vector<16xf32>, vector<16xi1> -> vector<16xf32>
      %parallel_loop3A_221 = vector.extract %parallel_loop3A_220[15] : f32 from vector<16xf32>
      %parallel_loop3A_222 = vector.broadcast %parallel_loop3A_221 : f32 to vector<16xf32>
      %parallel_loop3A_223 = arith.select %parallel_loop3A_217, %parallel_loop3A_222, %parallel_loop3A_208 : vector<16xi1>, vector<16xf32>
      %parallel_loop3A_224 = arith.constant 256 : i32
      %parallel_loop3A_225 = arith.muli %parallel_loop3A_101, %parallel_loop3A_224 : i32
      %parallel_loop3A_226 = arith.constant 128 : i32
      %parallel_loop3A_227 = arith.addi %parallel_loop3A_225, %parallel_loop3A_226 : i32
      %parallel_loop3A_228 = arith.index_cast %parallel_loop3A_227 : i32 to index
      %parallel_loop3A_229 = tpu.vector_load %arg12[%parallel_loop3A_228] {strides = array<i32>} : memref<12288xf32, #tpu.memory_space<vmem>>, vector<16xf32>,
      %parallel_loop3A_230 = arith.constant 8 : i32
      %parallel_loop3A_231 = vector.broadcast %parallel_loop3A_230 : i32 to vector<16xi32>
      %parallel_loop3A_232 = arith.cmpi eq, %iota3A_95, %parallel_loop3A_231 : vector<16xi32>
      %parallel_loop3A_233 = arith.constant true
      %parallel_loop3A_234 = vector.broadcast %parallel_loop3A_233 : i1 to vector<16xi1>
      %parallel_loop3A_235 = tpu.scan <sum>, %parallel_loop3A_229 masked %parallel_loop3A_234 : vector<16xf32>, vector<16xi1> -> vector<16xf32>
      %parallel_loop3A_236 = vector.extract %parallel_loop3A_235[15] : f32 from vector<16xf32>
      %parallel_loop3A_237 = vector.broadcast %parallel_loop3A_236 : f32 to vector<16xf32>
      %parallel_loop3A_238 = arith.select %parallel_loop3A_232, %parallel_loop3A_237, %parallel_loop3A_223 : vector<16xi1>, vector<16xf32>
      %parallel_loop3A_239 = arith.constant 256 : i32
      %parallel_loop3A_240 = arith.muli %parallel_loop3A_101, %parallel_loop3A_239 : i32
      %parallel_loop3A_241 = arith.constant 144 : i32
      %parallel_loop3A_242 = arith.addi %parallel_loop3A_240, %parallel_loop3A_241 : i32
      %parallel_loop3A_243 = arith.index_cast %parallel_loop3A_242 : i32 to index
      %parallel_loop3A_244 = tpu.vector_load %arg12[%parallel_loop3A_243] {strides = array<i32>} : memref<12288xf32, #tpu.memory_space<vmem>>, vector<16xf32>,
      %parallel_loop3A_245 = arith.constant 9 : i32
      %parallel_loop3A_246 = vector.broadcast %parallel_loop3A_245 : i32 to vector<16xi32>
      %parallel_loop3A_247 = arith.cmpi eq, %iota3A_95, %parallel_loop3A_246 : vector<16xi32>
      %parallel_loop3A_248 = arith.constant true
      %parallel_loop3A_249 = vector.broadcast %parallel_loop3A_248 : i1 to vector<16xi1>
      %parallel_loop3A_250 = tpu.scan <sum>, %parallel_loop3A_244 masked %parallel_loop3A_249 : vector<16xf32>, vector<16xi1> -> vector<16xf32>
      %parallel_loop3A_251 = vector.extract %parallel_loop3A_250[15] : f32 from vector<16xf32>
      %parallel_loop3A_252 = vector.broadcast %parallel_loop3A_251 : f32 to vector<16xf32>
      %parallel_loop3A_253 = arith.select %parallel_loop3A_247, %parallel_loop3A_252, %parallel_loop3A_238 : vector<16xi1>, vector<16xf32>
      %parallel_loop3A_254 = arith.constant 256 : i32
      %parallel_loop3A_255 = arith.muli %parallel_loop3A_101, %parallel_loop3A_254 : i32
      %parallel_loop3A_256 = arith.constant 160 : i32
      %parallel_loop3A_257 = arith.addi %parallel_loop3A_255, %parallel_loop3A_256 : i32
      %parallel_loop3A_258 = arith.index_cast %parallel_loop3A_257 : i32 to index
      %parallel_loop3A_259 = tpu.vector_load %arg12[%parallel_loop3A_258] {strides = array<i32>} : memref<12288xf32, #tpu.memory_space<vmem>>, vector<16xf32>,
      %parallel_loop3A_260 = arith.constant 10 : i32
      %parallel_loop3A_261 = vector.broadcast %parallel_loop3A_260 : i32 to vector<16xi32>
      %parallel_loop3A_262 = arith.cmpi eq, %iota3A_95, %parallel_loop3A_261 : vector<16xi32>
      %parallel_loop3A_263 = arith.constant true
      %parallel_loop3A_264 = vector.broadcast %parallel_loop3A_263 : i1 to vector<16xi1>
      %parallel_loop3A_265 = tpu.scan <sum>, %parallel_loop3A_259 masked %parallel_loop3A_264 : vector<16xf32>, vector<16xi1> -> vector<16xf32>
      %parallel_loop3A_266 = vector.extract %parallel_loop3A_265[15] : f32 from vector<16xf32>
      %parallel_loop3A_267 = vector.broadcast %parallel_loop3A_266 : f32 to vector<16xf32>
      %parallel_loop3A_268 = arith.select %parallel_loop3A_262, %parallel_loop3A_267, %parallel_loop3A_253 : vector<16xi1>, vector<16xf32>
      %parallel_loop3A_269 = arith.constant 256 : i32
      %parallel_loop3A_270 = arith.muli %parallel_loop3A_101, %parallel_loop3A_269 : i32
      %parallel_loop3A_271 = arith.constant 176 : i32
      %parallel_loop3A_272 = arith.addi %parallel_loop3A_270, %parallel_loop3A_271 : i32
      %parallel_loop3A_273 = arith.index_cast %parallel_loop3A_272 : i32 to index
      %parallel_loop3A_274 = tpu.vector_load %arg12[%parallel_loop3A_273] {strides = array<i32>} : memref<12288xf32, #tpu.memory_space<vmem>>, vector<16xf32>,
      %parallel_loop3A_275 = arith.constant 11 : i32
      %parallel_loop3A_276 = vector.broadcast %parallel_loop3A_275 : i32 to vector<16xi32>
      %parallel_loop3A_277 = arith.cmpi eq, %iota3A_95, %parallel_loop3A_276 : vector<16xi32>
      %parallel_loop3A_278 = arith.constant true
      %parallel_loop3A_279 = vector.broadcast %parallel_loop3A_278 : i1 to vector<16xi1>
      %parallel_loop3A_280 = tpu.scan <sum>, %parallel_loop3A_274 masked %parallel_loop3A_279 : vector<16xf32>, vector<16xi1> -> vector<16xf32>
      %parallel_loop3A_281 = vector.extract %parallel_loop3A_280[15] : f32 from vector<16xf32>
      %parallel_loop3A_282 = vector.broadcast %parallel_loop3A_281 : f32 to vector<16xf32>
      %parallel_loop3A_283 = arith.select %parallel_loop3A_277, %parallel_loop3A_282, %parallel_loop3A_268 : vector<16xi1>, vector<16xf32>
      %parallel_loop3A_284 = arith.constant 256 : i32
      %parallel_loop3A_285 = arith.muli %parallel_loop3A_101, %parallel_loop3A_284 : i32
      %parallel_loop3A_286 = arith.constant 192 : i32
      %parallel_loop3A_287 = arith.addi %parallel_loop3A_285, %parallel_loop3A_286 : i32
      %parallel_loop3A_288 = arith.index_cast %parallel_loop3A_287 : i32 to index
      %parallel_loop3A_289 = tpu.vector_load %arg12[%parallel_loop3A_288] {strides = array<i32>} : memref<12288xf32, #tpu.memory_space<vmem>>, vector<16xf32>,
      %parallel_loop3A_290 = arith.constant 12 : i32
      %parallel_loop3A_291 = vector.broadcast %parallel_loop3A_290 : i32 to vector<16xi32>
      %parallel_loop3A_292 = arith.cmpi eq, %iota3A_95, %parallel_loop3A_291 : vector<16xi32>
      %parallel_loop3A_293 = arith.constant true
      %parallel_loop3A_294 = vector.broadcast %parallel_loop3A_293 : i1 to vector<16xi1>
      %parallel_loop3A_295 = tpu.scan <sum>, %parallel_loop3A_289 masked %parallel_loop3A_294 : vector<16xf32>, vector<16xi1> -> vector<16xf32>
      %parallel_loop3A_296 = vector.extract %parallel_loop3A_295[15] : f32 from vector<16xf32>
      %parallel_loop3A_297 = vector.broadcast %parallel_loop3A_296 : f32 to vector<16xf32>
      %parallel_loop3A_298 = arith.select %parallel_loop3A_292, %parallel_loop3A_297, %parallel_loop3A_283 : vector<16xi1>, vector<16xf32>
      %parallel_loop3A_299 = arith.constant 256 : i32
      %parallel_loop3A_300 = arith.muli %parallel_loop3A_101, %parallel_loop3A_299 : i32
      %parallel_loop3A_301 = arith.constant 208 : i32
      %parallel_loop3A_302 = arith.addi %parallel_loop3A_300, %parallel_loop3A_301 : i32
      %parallel_loop3A_303 = arith.index_cast %parallel_loop3A_302 : i32 to index
      %parallel_loop3A_304 = tpu.vector_load %arg12[%parallel_loop3A_303] {strides = array<i32>} : memref<12288xf32, #tpu.memory_space<vmem>>, vector<16xf32>,
      %parallel_loop3A_305 = arith.constant 13 : i32
      %parallel_loop3A_306 = vector.broadcast %parallel_loop3A_305 : i32 to vector<16xi32>
      %parallel_loop3A_307 = arith.cmpi eq, %iota3A_95, %parallel_loop3A_306 : vector<16xi32>
      %parallel_loop3A_308 = arith.constant true
      %parallel_loop3A_309 = vector.broadcast %parallel_loop3A_308 : i1 to vector<16xi1>
      %parallel_loop3A_310 = tpu.scan <sum>, %parallel_loop3A_304 masked %parallel_loop3A_309 : vector<16xf32>, vector<16xi1> -> vector<16xf32>
      %parallel_loop3A_311 = vector.extract %parallel_loop3A_310[15] : f32 from vector<16xf32>
      %parallel_loop3A_312 = vector.broadcast %parallel_loop3A_311 : f32 to vector<16xf32>
      %parallel_loop3A_313 = arith.select %parallel_loop3A_307, %parallel_loop3A_312, %parallel_loop3A_298 : vector<16xi1>, vector<16xf32>
      %parallel_loop3A_314 = arith.constant 256 : i32
      %parallel_loop3A_315 = arith.muli %parallel_loop3A_101, %parallel_loop3A_314 : i32
      %parallel_loop3A_316 = arith.constant 224 : i32
      %parallel_loop3A_317 = arith.addi %parallel_loop3A_315, %parallel_loop3A_316 : i32
      %parallel_loop3A_318 = arith.index_cast %parallel_loop3A_317 : i32 to index
      %parallel_loop3A_319 = tpu.vector_load %arg12[%parallel_loop3A_318] {strides = array<i32>} : memref<12288xf32, #tpu.memory_space<vmem>>, vector<16xf32>,
      %parallel_loop3A_320 = arith.constant 14 : i32
      %parallel_loop3A_321 = vector.broadcast %parallel_loop3A_320 : i32 to vector<16xi32>
      %parallel_loop3A_322 = arith.cmpi eq, %iota3A_95, %parallel_loop3A_321 : vector<16xi32>
      %parallel_loop3A_323 = arith.constant true
      %parallel_loop3A_324 = vector.broadcast %parallel_loop3A_323 : i1 to vector<16xi1>
      %parallel_loop3A_325 = tpu.scan <sum>, %parallel_loop3A_319 masked %parallel_loop3A_324 : vector<16xf32>, vector<16xi1> -> vector<16xf32>
      %parallel_loop3A_326 = vector.extract %parallel_loop3A_325[15] : f32 from vector<16xf32>
      %parallel_loop3A_327 = vector.broadcast %parallel_loop3A_326 : f32 to vector<16xf32>
      %parallel_loop3A_328 = arith.select %parallel_loop3A_322, %parallel_loop3A_327, %parallel_loop3A_313 : vector<16xi1>, vector<16xf32>
      %parallel_loop3A_329 = arith.constant 256 : i32
      %parallel_loop3A_330 = arith.muli %parallel_loop3A_101, %parallel_loop3A_329 : i32
      %parallel_loop3A_331 = arith.constant 240 : i32
      %parallel_loop3A_332 = arith.addi %parallel_loop3A_330, %parallel_loop3A_331 : i32
      %parallel_loop3A_333 = arith.index_cast %parallel_loop3A_332 : i32 to index
      %parallel_loop3A_334 = tpu.vector_load %arg12[%parallel_loop3A_333] {strides = array<i32>} : memref<12288xf32, #tpu.memory_space<vmem>>, vector<16xf32>,
      %parallel_loop3A_335 = arith.constant 15 : i32
      %parallel_loop3A_336 = vector.broadcast %parallel_loop3A_335 : i32 to vector<16xi32>
      %parallel_loop3A_337 = arith.cmpi eq, %iota3A_95, %parallel_loop3A_336 : vector<16xi32>
      %parallel_loop3A_338 = arith.constant true
      %parallel_loop3A_339 = vector.broadcast %parallel_loop3A_338 : i1 to vector<16xi1>
      %parallel_loop3A_340 = tpu.scan <sum>, %parallel_loop3A_334 masked %parallel_loop3A_339 : vector<16xf32>, vector<16xi1> -> vector<16xf32>
      %parallel_loop3A_341 = vector.extract %parallel_loop3A_340[15] : f32 from vector<16xf32>
      %parallel_loop3A_342 = vector.broadcast %parallel_loop3A_341 : f32 to vector<16xf32>
      %parallel_loop3A_343 = arith.select %parallel_loop3A_337, %parallel_loop3A_342, %parallel_loop3A_328 : vector<16xi1>, vector<16xf32>
      %parallel_loop3A_344 = arith.constant 16 : i32
      %parallel_loop3A_345 = arith.muli %parallel_loop3A_101, %parallel_loop3A_344 : i32
      %parallel_loop3A_346 = arith.index_cast %parallel_loop3A_345 : i32 to index
      %parallel_loop3A_347 = tpu.vector_load %arg13[%parallel_loop3A_346] {strides = array<i32>} : memref<768xf32, #tpu.memory_space<vmem>>, vector<16xf32>,
      tpu.vector_store %arg13[%parallel_loop3A_346], %parallel_loop3A_343 {strides = array<i32>} : memref<768xf32, #tpu.memory_space<vmem>>, vector<16xf32>,
    } {sc.loop_unroll_factor = 2 : i64, sc.parallel_access}
    %run_scoped3A = arith.constant 0 : i32
    "tpu.region"() ({
      %run_scoped3A_101 = tpu.sem_alloc : memref<!tpu.dma_semaphore, #tpu.memory_space<semaphore_mem>>
      %dma_start3A_102 = arith.constant 0 : i32
      %dma_start3A_103 = tpu.memref_slice %arg13[%dma_start3A_102] : memref<768xf32, #tpu.memory_space<vmem>> -> memref<256xf32, #tpu.memory_space<vmem>>
      %dma_start3A_104 = arith.constant 0 : i32
      %dma_start3A_105 = tpu.memref_slice %arg5[%run_scoped3A, %add3A, %dma_start3A_104] : memref<3x32x256xf32, #tpu.memory_space<hbm>> -> memref<1x1x256xf32, #tpu.memory_space<hbm>>
      %dma_start3A_106 = tpu.memref_squeeze %dma_start3A_105 : memref<1x1x256xf32, #tpu.memory_space<hbm>> -> memref<256xf32, #tpu.memory_space<hbm>>
      %dma_start3A_107 = arith.constant 0 : i32
      %dma_start3A_108 = tpu.memref_slice %arg5[%run_scoped3A, %add3A, %dma_start3A_107] : memref<3x32x256xf32, #tpu.memory_space<hbm>> -> memref<1x1x256xf32, #tpu.memory_space<hbm>>
      %dma_start3A_109 = tpu.memref_squeeze %dma_start3A_108 : memref<1x1x256xf32, #tpu.memory_space<hbm>> -> memref<256xf32, #tpu.memory_space<hbm>>
      %dma_start3A_110 = arith.constant 0 : i32
      %dma_start3A_111 = tpu.memref_slice %arg13[%dma_start3A_110] : memref<768xf32, #tpu.memory_space<vmem>> -> memref<256xf32, #tpu.memory_space<vmem>>
      tpu.enqueue_dma source(%dma_start3A_111 : memref<256xf32, #tpu.memory_space<vmem>>) target(%dma_start3A_109 : memref<256xf32, #tpu.memory_space<hbm>>) target_semaphore(%run_scoped3A_101 : memref<!tpu.dma_semaphore, #tpu.memory_space<semaphore_mem>>)
      %dma_wait3A_112 = arith.constant 0 : i32
      %dma_wait3A_113 = tpu.memref_slice %arg13[%dma_wait3A_112] : memref<768xf32, #tpu.memory_space<vmem>> -> memref<256xf32, #tpu.memory_space<vmem>>
      %dma_wait3A_114 = arith.constant 0 : i32
      %dma_wait3A_115 = tpu.memref_slice %arg5[%run_scoped3A, %add3A, %dma_wait3A_114] : memref<3x32x256xf32, #tpu.memory_space<hbm>> -> memref<1x1x256xf32, #tpu.memory_space<hbm>>
      %dma_wait3A_116 = tpu.memref_squeeze %dma_wait3A_115 : memref<1x1x256xf32, #tpu.memory_space<hbm>> -> memref<256xf32, #tpu.memory_space<hbm>>
      %dma_wait3A_117 = arith.constant 0 : i32
      %dma_wait3A_118 = tpu.memref_slice %arg5[%run_scoped3A, %add3A, %dma_wait3A_117] : memref<3x32x256xf32, #tpu.memory_space<hbm>> -> memref<1x1x256xf32, #tpu.memory_space<hbm>>
      %dma_wait3A_119 = tpu.memref_squeeze %dma_wait3A_118 : memref<1x1x256xf32, #tpu.memory_space<hbm>> -> memref<256xf32, #tpu.memory_space<hbm>>
      %dma_wait3A_120 = arith.constant 0 : i32
      %dma_wait3A_121 = tpu.memref_slice %arg13[%dma_wait3A_120] : memref<768xf32, #tpu.memory_space<vmem>> -> memref<256xf32, #tpu.memory_space<vmem>>
      tpu.wait_dma2 semaphore(%run_scoped3A_101 : memref<!tpu.dma_semaphore, #tpu.memory_space<semaphore_mem>>) src(%dma_wait3A_121 : memref<256xf32, #tpu.memory_space<vmem>>) dst(%dma_wait3A_119 : memref<256xf32, #tpu.memory_space<hbm>>)
      tpu.yield
    }) : () -> ()
    %run_scoped3A_99 = arith.constant 1 : i32
    "tpu.region"() ({
      %run_scoped3A_101 = tpu.sem_alloc : memref<!tpu.dma_semaphore, #tpu.memory_space<semaphore_mem>>
      %dma_start3A_102 = arith.constant 256 : i32
      %dma_start3A_103 = tpu.memref_slice %arg13[%dma_start3A_102] : memref<768xf32, #tpu.memory_space<vmem>> -> memref<256xf32, #tpu.memory_space<vmem>>
      %dma_start3A_104 = arith.constant 0 : i32
      %dma_start3A_105 = tpu.memref_slice %arg5[%run_scoped3A_99, %add3A, %dma_start3A_104] : memref<3x32x256xf32, #tpu.memory_space<hbm>> -> memref<1x1x256xf32, #tpu.memory_space<hbm>>
      %dma_start3A_106 = tpu.memref_squeeze %dma_start3A_105 : memref<1x1x256xf32, #tpu.memory_space<hbm>> -> memref<256xf32, #tpu.memory_space<hbm>>
      %dma_start3A_107 = arith.constant 0 : i32
      %dma_start3A_108 = tpu.memref_slice %arg5[%run_scoped3A_99, %add3A, %dma_start3A_107] : memref<3x32x256xf32, #tpu.memory_space<hbm>> -> memref<1x1x256xf32, #tpu.memory_space<hbm>>
      %dma_start3A_109 = tpu.memref_squeeze %dma_start3A_108 : memref<1x1x256xf32, #tpu.memory_space<hbm>> -> memref<256xf32, #tpu.memory_space<hbm>>
      %dma_start3A_110 = arith.constant 256 : i32
      %dma_start3A_111 = tpu.memref_slice %arg13[%dma_start3A_110] : memref<768xf32, #tpu.memory_space<vmem>> -> memref<256xf32, #tpu.memory_space<vmem>>
      tpu.enqueue_dma source(%dma_start3A_111 : memref<256xf32, #tpu.memory_space<vmem>>) target(%dma_start3A_109 : memref<256xf32, #tpu.memory_space<hbm>>) target_semaphore(%run_scoped3A_101 : memref<!tpu.dma_semaphore, #tpu.memory_space<semaphore_mem>>)
      %dma_wait3A_112 = arith.constant 256 : i32
      %dma_wait3A_113 = tpu.memref_slice %arg13[%dma_wait3A_112] : memref<768xf32, #tpu.memory_space<vmem>> -> memref<256xf32, #tpu.memory_space<vmem>>
      %dma_wait3A_114 = arith.constant 0 : i32
      %dma_wait3A_115 = tpu.memref_slice %arg5[%run_scoped3A_99, %add3A, %dma_wait3A_114] : memref<3x32x256xf32, #tpu.memory_space<hbm>> -> memref<1x1x256xf32, #tpu.memory_space<hbm>>
      %dma_wait3A_116 = tpu.memref_squeeze %dma_wait3A_115 : memref<1x1x256xf32, #tpu.memory_space<hbm>> -> memref<256xf32, #tpu.memory_space<hbm>>
      %dma_wait3A_117 = arith.constant 0 : i32
      %dma_wait3A_118 = tpu.memref_slice %arg5[%run_scoped3A_99, %add3A, %dma_wait3A_117] : memref<3x32x256xf32, #tpu.memory_space<hbm>> -> memref<1x1x256xf32, #tpu.memory_space<hbm>>
      %dma_wait3A_119 = tpu.memref_squeeze %dma_wait3A_118 : memref<1x1x256xf32, #tpu.memory_space<hbm>> -> memref<256xf32, #tpu.memory_space<hbm>>
      %dma_wait3A_120 = arith.constant 256 : i32
      %dma_wait3A_121 = tpu.memref_slice %arg13[%dma_wait3A_120] : memref<768xf32, #tpu.memory_space<vmem>> -> memref<256xf32, #tpu.memory_space<vmem>>
      tpu.wait_dma2 semaphore(%run_scoped3A_101 : memref<!tpu.dma_semaphore, #tpu.memory_space<semaphore_mem>>) src(%dma_wait3A_121 : memref<256xf32, #tpu.memory_space<vmem>>) dst(%dma_wait3A_119 : memref<256xf32, #tpu.memory_space<hbm>>)
      tpu.yield
    }) : () -> ()
    %run_scoped3A_100 = arith.constant 2 : i32
    "tpu.region"() ({
      %run_scoped3A_101 = tpu.sem_alloc : memref<!tpu.dma_semaphore, #tpu.memory_space<semaphore_mem>>
      %dma_start3A_102 = arith.constant 512 : i32
      %dma_start3A_103 = tpu.memref_slice %arg13[%dma_start3A_102] : memref<768xf32, #tpu.memory_space<vmem>> -> memref<256xf32, #tpu.memory_space<vmem>>
      %dma_start3A_104 = arith.constant 0 : i32
      %dma_start3A_105 = tpu.memref_slice %arg5[%run_scoped3A_100, %add3A, %dma_start3A_104] : memref<3x32x256xf32, #tpu.memory_space<hbm>> -> memref<1x1x256xf32, #tpu.memory_space<hbm>>
      %dma_start3A_106 = tpu.memref_squeeze %dma_start3A_105 : memref<1x1x256xf32, #tpu.memory_space<hbm>> -> memref<256xf32, #tpu.memory_space<hbm>>
      %dma_start3A_107 = arith.constant 0 : i32
      %dma_start3A_108 = tpu.memref_slice %arg5[%run_scoped3A_100, %add3A, %dma_start3A_107] : memref<3x32x256xf32, #tpu.memory_space<hbm>> -> memref<1x1x256xf32, #tpu.memory_space<hbm>>
      %dma_start3A_109 = tpu.memref_squeeze %dma_start3A_108 : memref<1x1x256xf32, #tpu.memory_space<hbm>> -> memref<256xf32, #tpu.memory_space<hbm>>
      %dma_start3A_110 = arith.constant 512 : i32
      %dma_start3A_111 = tpu.memref_slice %arg13[%dma_start3A_110] : memref<768xf32, #tpu.memory_space<vmem>> -> memref<256xf32, #tpu.memory_space<vmem>>
      tpu.enqueue_dma source(%dma_start3A_111 : memref<256xf32, #tpu.memory_space<vmem>>) target(%dma_start3A_109 : memref<256xf32, #tpu.memory_space<hbm>>) target_semaphore(%run_scoped3A_101 : memref<!tpu.dma_semaphore, #tpu.memory_space<semaphore_mem>>)
      %dma_wait3A_112 = arith.constant 512 : i32
      %dma_wait3A_113 = tpu.memref_slice %arg13[%dma_wait3A_112] : memref<768xf32, #tpu.memory_space<vmem>> -> memref<256xf32, #tpu.memory_space<vmem>>
      %dma_wait3A_114 = arith.constant 0 : i32
      %dma_wait3A_115 = tpu.memref_slice %arg5[%run_scoped3A_100, %add3A, %dma_wait3A_114] : memref<3x32x256xf32, #tpu.memory_space<hbm>> -> memref<1x1x256xf32, #tpu.memory_space<hbm>>
      %dma_wait3A_116 = tpu.memref_squeeze %dma_wait3A_115 : memref<1x1x256xf32, #tpu.memory_space<hbm>> -> memref<256xf32, #tpu.memory_space<hbm>>
      %dma_wait3A_117 = arith.constant 0 : i32
      %dma_wait3A_118 = tpu.memref_slice %arg5[%run_scoped3A_100, %add3A, %dma_wait3A_117] : memref<3x32x256xf32, #tpu.memory_space<hbm>> -> memref<1x1x256xf32, #tpu.memory_space<hbm>>
      %dma_wait3A_119 = tpu.memref_squeeze %dma_wait3A_118 : memref<1x1x256xf32, #tpu.memory_space<hbm>> -> memref<256xf32, #tpu.memory_space<hbm>>
      %dma_wait3A_120 = arith.constant 512 : i32
      %dma_wait3A_121 = tpu.memref_slice %arg13[%dma_wait3A_120] : memref<768xf32, #tpu.memory_space<vmem>> -> memref<256xf32, #tpu.memory_space<vmem>>
      tpu.wait_dma2 semaphore(%run_scoped3A_101 : memref<!tpu.dma_semaphore, #tpu.memory_space<semaphore_mem>>) src(%dma_wait3A_121 : memref<256xf32, #tpu.memory_space<vmem>>) dst(%dma_wait3A_119 : memref<256xf32, #tpu.memory_space<hbm>>)
      tpu.yield
    }) : () -> ()
    return
  }
}

</mosaic_0001>

<sc_bundles>
// kernel: _sc_stats.3.cloned.1.call-start
scs
__scs_entry_jumppad:
0x0: {  	(pc) =	sbr.rel $0x88, $3  }
0x1: {  	(tag) =	ssettag $0x0;
	lr =	simm.s32 $0x1  }
0x2: {  	[smem:$0x3F9E] =	sst lr;
	_ =	strace $0xD0000000  }
0x3: {  	_ = 	snop  }
0x4: {  	_ = 	snop  }
0x5: {  	_ = 	snop  }
0x6: {  	_ = 	snop  }
0x7: {  	_ = 	snop  }
__scs_overlays_trampoline_lowered:
0x8: {  	[smem:$0x3FAD] =	sst s0  }
0x9: {  	[smem:$0x3FAE] =	sst s1  }
0xa: {  	[smem:$0x3FAF] =	sst s2  }
0xb: {  	[smem:$0x3FB0] =	sst s3  }
0xc: {  	[smem:$0x3FB1] =	sst s4  }
0xd: {  	[smem:$0x3FB2] =	sst s5  }
0xe: {  	[smem:$0x3FB3] =	sst s6  }
0xf: {  	[smem:$0x3FB4] =	sst s7  }
0x10: {  	[smem:$0x3FB5] =	sst s8  }
0x11: {  	[smem:$0x3FB6] =	sst s9;
	s0 =	simm.s32 @!p0 $0x0  }
0x12: {  	s1 =	sld [smem:$0x3F9C];
	s0 =	simm.s32 @p0 $0x1  }
0x13: {  	[smem:$0x3FB7] =	sst s0;
	s0 =	simm.s32 @!p1 $0x0  }
0x14: {  	s2 =	sld [smem:$0x3F9B];
	s0 =	simm.s32 @p1 $0x1  }
0x15: {  	[smem:$0x3FB8] =	sst s0;
	s0 =	simm.s32 @!p2 $0x0  }
0x16: {  	s3 =	sld [smem:$0x3FDB];
	s0 =	simm.s32 @p2 $0x1  }
0x17: {  	s4 =	simm.s32 $0x1BF5;
	[smem:$0x3FBA] =	sst s0  }
0x18: {  	s0 =	sld [smem:$0x3F9D];
	_ =	swait.ge [sflag:s4], $0x0  }
0x19: {  	s7 =	sld [smem:$0x3F9E]  }
0x1a: {  	s8 =	sadd.s32 $0xFFFFE003, lr  }
0x1b: {  	s9 =	sadd.s32 $0xFFFFFEF7, lr;
	s5 =	simm.s32 $0xFFFFFFFF;
	p2 =	slt.u32 s8, $0xFFFFF086  }
0x1c: {  	p1 =	slt.u32 s9, $0xF7A;
	s5 =	simm.s32 @!p2 $0x0  }
0x1d: {  	s5 =	simm.s32 @p1 $0x1;
	p0 =	seq.s32 s7, s2  }
0x1e: {  	s7 =	smul.u32 @!p0 $0xF7A, s2;
	p2 =	seq.s32 @!p0 s5, $0x0  }
0x1f: {  	s9 =	smul.u32 $0xF7A, s1;
	s8 =	simm.s32 @!p0 $0x1BF5;
	p2 =	por !p2, p0  }
0x20: {  	[sflag:s8] =	ssyncset.s32 @!p0 $0xFFFFF086;
	s6 =	sadd.s32 @!p0 s3, s7;
	s7 =	simm.s32 @!p0 $0x108  }
0x21: {  	s3 =	sadd.s32 s3, s9;
	s6 =	sadd.s32 @!p0 $0x88, s6;
	s7 =	simm.s32 @p2 $0x1082  }
0x22: {  	[simem:s7], [sflag:s8] =	dma.local @!p0 [hbm:s6], $0xF7A  }
0x23: {  	s9 =	sor.u32 $0xD0000000, s2;
	s6 =	simm.s32 $0x108;
	_ =	swait.ge @!p0 [sflag:s8], $0x0  }
0x24: {  	s3 =	sadd.s32 $0x88, s3;
	s6 =	simm.s32 @!p1 $0x1082;
	[sflag:s4] =	ssyncset.s32 $0xFFFFF086  }
0x25: {  	[simem:s6], [sflag:s4] =	dma.local [hbm:s3], $0xF7A  }
0x26: {  	[smem:$0x3F9E] =	sst s1;
	(tag) =	ssettag s2;
	_ =	strace s9  }
0x27: {  	s1 =	sld [smem:$0x3FAE]  }
0x28: {  	s2 =	sld [smem:$0x3FAF]  }
0x29: {  	s4 =	sld [smem:$0x3FB1]  }
0x2a: {  	p0 =	seq.s32 s5, $0x0;
	s5 =	sld [smem:$0x3FB2]  }
0x2b: {  	s6 =	sld [smem:$0x3FB3]  }
0x2c: {  	s7 =	sld [smem:$0x3FB4]  }
0x2d: {  	s3 =	simm.s32 $0x108;
	s8 =	sld [smem:$0x3FB5]  }
0x2e: {  	s3 =	simm.s32 @!p0 $0x1082;
	s9 =	sld [smem:$0x3FB6]  }
0x2f: {  	lr =	sadd.s32 s0, s3;
	s0 =	sld [smem:$0x3FAD]  }
0x30: {  	s3 =	sld [smem:$0x3FB0]  }
0x31: {  	[smem:$0x3FB9] =	sst s10  }
0x32: {  	s10 =	sld [smem:$0x3FB7];
	_ =	sdelay $0x3  }
0x33: {  	p0 =	seq.s32 s10, $0x1;
	s10 =	sld [smem:$0x3FB9];
	_ =	sdelay $0x3  }
0x34: {  	[smem:$0x3FB9] =	sst s10  }
0x35: {  	s10 =	sld [smem:$0x3FB8];
	_ =	sdelay $0x3  }
0x36: {  	p1 =	seq.s32 s10, $0x1;
	s10 =	sld [smem:$0x3FB9];
	_ =	sdelay $0x3  }
0x37: {  	[smem:$0x3FB9] =	sst s10  }
0x38: {  	s10 =	sld [smem:$0x3FBA]  }
0x39: {  	_ = 	snop;
	(pc) =	sbr.ind lr, $3  }
0x3a: {  	_ = 	snop  }
0x3b: {  	_ = 	snop  }
0x3c: {  	p2 =	seq.s32 s10, $0x1;
	s10 =	sld [smem:$0x3FB9]  }
0x3d: {  	_ =	shalt  }
0x3e: {  	_ =	shalt  }
0x3f: {  	_ =	shalt  }
0x40: {  	_ =	shalt  }
0x41: {  	_ =	shalt  }
0x42: {  	_ =	shalt  }
0x43: {  	_ =	shalt  }
0x44: {  	_ =	shalt  }
0x45: {  	_ =	shalt  }
0x46: {  	_ =	shalt  }
0x47: {  	_ =	shalt  }
0x48: {  	_ =	shalt  }
0x49: {  	_ =	shalt  }
0x4a: {  	_ =	shalt  }
0x4b: {  	_ =	shalt  }
0x4c: {  	_ =	shalt  }
0x4d: {  	_ =	shalt  }
0x4e: {  	_ =	shalt  }
0x4f: {  	_ =	shalt  }
0x50: {  	_ =	shalt  }
0x51: {  	_ =	shalt  }
0x52: {  	_ =	shalt  }
0x53: {  	_ =	shalt  }
0x54: {  	_ =	shalt  }
0x55: {  	_ =	shalt  }
0x56: {  	_ =	shalt  }
0x57: {  	_ =	shalt  }
0x58: {  	_ =	shalt  }
0x59: {  	_ =	shalt  }
0x5a: {  	_ =	shalt  }
0x5b: {  	_ =	shalt  }
0x5c: {  	_ =	shalt  }
0x5d: {  	_ =	shalt  }
0x5e: {  	_ =	shalt  }
0x5f: {  	_ =	shalt  }
0x60: {  	_ =	shalt  }
0x61: {  	_ =	shalt  }
0x62: {  	_ =	shalt  }
0x63: {  	_ =	shalt  }
0x64: {  	_ =	shalt  }
0x65: {  	_ =	shalt  }
0x66: {  	_ =	shalt  }
0x67: {  	_ =	shalt  }
0x68: {  	_ =	shalt  }
0x69: {  	_ =	shalt  }
0x6a: {  	_ =	shalt  }
0x6b: {  	_ =	shalt  }
0x6c: {  	_ =	shalt  }
0x6d: {  	_ =	shalt  }
0x6e: {  	_ =	shalt  }
0x6f: {  	_ =	shalt  }
0x70: {  	_ =	shalt  }
0x71: {  	_ =	shalt  }
0x72: {  	_ =	shalt  }
0x73: {  	_ =	shalt  }
0x74: {  	_ =	shalt  }
0x75: {  	_ =	shalt  }
0x76: {  	_ =	shalt  }
0x77: {  	_ =	shalt  }
0x78: {  	_ =	shalt  }
0x79: {  	_ =	shalt  }
0x7a: {  	_ =	shalt  }
0x7b: {  	_ =	shalt  }
0x7c: {  	_ =	shalt  }
0x7d: {  	_ =	shalt  }
0x7e: {  	_ =	shalt  }
0x7f: {  	_ =	shalt  }
0x80: {  	_ =	shalt  }
0x81: {  	_ =	shalt  }
0x82: {  	_ =	shalt  }
0x83: {  	_ =	shalt  }
0x84: {  	_ =	shalt  }
0x85: {  	_ =	shalt  }
0x86: {  	_ =	shalt  }
0x87: {  	_ =	shalt  }
.Lfunc_end0:
.L_simem_size_0:
called_computation_lowered:
.L_overlay_start_0:
0x88: {  	s2 =	sld [smem:$0x3FD9]  }
0x89: {  	s3 =	sld [smem:$0x3FFE];
	_ =	sdelay $0x1  }
0x8a: {  	s1 =	srdreg.scid  }
0x8b: {  	s0 =	sand.u32 $0x1, s1  }
0x8c: {  	s18 =	sshll.u32 s0, $0xA;
	s2 =	sadd.s32 s3, s2  }
0x8d: {  	s2 =	sadd.s32 s2, s18  }
0x8e: {  	[smem:$0x3FC5] =	sst s2  }
0x8f: {  	_ = 	snop  }
0x90: {  	s2 =	sld [smem:$0x3FC9]  }
0x91: {  	s19 =	sld [smem:$0x3FC8]  }
0x92: {  	s4 =	sld [smem:$0x3FC7]  }
0x93: {  	s5 =	sld [smem:$0x3FD0];
	(tm) =	ssettm $0x1  }
0x94: {  	s6 =	sld [smem:$0x3FFB];
	_ =	sdelay $0x3  }
0x95: {  	_ =	strace s6  }
0x96: {  	s6 =	sld [smem:$0x3FFC];
	_ =	sdelay $0x3  }
0x97: {  	_ =	strace s6  }
0x98: {  	s6 =	sld [smem:$0x3FFD];
	_ =	sdelay $0x3  }
0x99: {  	_ =	strace s6  }
0x9a: {  	_ =	strace $0x8FFFFFFF  }
0x9b: {  	s20 =	sld [smem:$0x3FDB];
	_ =	sdelay $0x1  }
0x9c: {  	s7 =	simm.s32 $_scs_section_size  }
0x9d: {  	s8 =	simm.s32 $_size__tile_overlayer_lowered;
	s9 =	simm.s32 $_tile_overlayer_lowered  }
0x9e: {  	s23 =	simm.s32 $0x1BFF;
	s22 =	sshll.u32 s9, $0x1;
	s6 =	sadd.s32 s7, s20  }
0x9f: {  	s10 =	simm.s32 $0x0;
	s21 =	sshll.u32 s8, $0x1;
	s8 =	sadd.s32 s22, s6  }
0xa0: {  	[timem:s10], [sflag:s23] =	dma.local [hbm:s8], s21  }
0xa1: {  	_ =	swait.ge [sflag:s23], s21  }
0xa2: {  	s7 =	ssub.s32 $0x0, s21;
	[sflag:s23] =	ssyncset.done $0x0  }
0xa3: {  	[sflag:s23] =	ssyncadd.s32 s7;
	_ =	sdelay $0x1  }
0xa4: {  	s24 =	simm.s32 $0x1B8B  }
0xa5: {  	_ =	swait.ge [sflag:s24], $0x1  }
0xa6: {  	[sflag:s24] =	ssyncset.done $0x0  }
0xa7: {  	s25 =	simm.s32 $0x1B8E;
	[sflag:s24] =	ssyncadd.s32 $0xFFFFFFFF  }
0xa8: {  	s26 =	simm.s32 $execute0_lowered;
	[smem:$0x3FD2] =	sst s25  }
0xa9: {  	s7 =	sshll.u32 s26, $0x1;
	_ =	strace $0x80000046;
	[dreg:$0x1] =	wrdreg $0xFFFFFFFF  }
0xaa: {  	s28 =	simm.s32 $_size_execute0_lowered;
	s6 =	sadd.s32 s6, s7;
	[dreg:$0x0] =	wrdreg $0x0  }
0xab: {  	s7 =	sshll.u32 s28, $0x1;
	[dreg:$0x2] =	wrdreg s6  }
0xac: {  	[dreg:$0x3] =	wrdreg s7  }
0xad: {  	[dreg:$0x4] =	wrdreg $0xC0  }
0xae: {  	_ =	task [dreg:s10], $0x5FFFF  }
0xaf: {  	[dreg:$0x1] =	wrdreg $0xFFFFFFFF  }
0xb0: {  	[dreg:$0x0] =	wrdreg $0x60  }
0xb1: {  	[dreg:$0x2] =	wrdreg s2  }
0xb2: {  	[dreg:$0x3] =	wrdreg s19  }
0xb3: {  	[dreg:$0x4] =	wrdreg s4  }
0xb4: {  	[dreg:$0x5] =	wrdreg s5  }
0xb5: {  	[dreg:$0x6] =	wrdreg $0x9  }
0xb6: {  	_ =	task.clear_ibuf [dreg:s10], $0x7FFFF;
	_ =	strace $0x90000046  }
0xb7: {  	s29 =	simm.s32 $0x9;
	_ =	strace $0x80000048  }
0xb8: {  	_ =	swait.ge [sflag:s29], $0x1  }
0xb9: {  	[sflag:s29] =	ssyncadd.s32 $0xFFFFFFFF  }
0xba: {  	_ =	strace $0x90000048  }
0xbb: {  	_ =	sfence  }
0xbc: {  	s30 =	sld [smem:$0x0];
	_ =	sdelay $0x2  }
0xbd: {  	s31 =	sshll.u32 s1, $0xD;
	s1 =	sshrl.u32 s1, $0x2  }
0xbe: {  	s3 =	sand.u32 $0x4000, s31;
	s1 =	sadd.s32 s1, s30  }
0xbf: {  	s0 =	sor.u32 s3, s0;
	s1 =	sshll.u32 s1, $0x11  }
0xc0: {  	s0 =	sor.u32 s1, s0  }
0xc1: {  	s0 =	sadd.s32 $0x8F2B, s0  }
0xc2: {  	[sflag:s0] =	ssyncadd.remote.s32 $0x1  }
0xc3: {  	_ =	sfence.sel $0xFFFF  }
0xc4: {  	[dreg:$0x0] =	wrdreg $0xFFFFFFFF;
	(pc) =	sbr.abs _section_cstart, $3  }
0xc5: {  	[dreg:$0x1] =	wrdreg $0xFFFFFFFF  }
0xc6: {  	_ =	task.clear_ibuf [dreg:s10], $0x2FFFF;
	_ =	strace $0x9FFFFFFF  }
0xc7: {  	(tm) =	ssettm $0x7FFFFFFF  }
tec
execute0_lowered:
.L_overlay_start_1:
0x0: {  	(tag) =	ssettag $0x1  }
0x1: {  	s0 =	rddreg [dreg:$0x0]  }
0x2: {  	s1 =	srdreg.scid;
	s3 =	rddreg [dreg:$0x1]  }
0x3: {  	s15 =	stileid.u32;
	s4 =	rddreg [dreg:$0x2]  }
0x4: {  	s6 =	rddreg [dreg:$0x3];
	s28 =	simm.s32 $0x1;
	s29 =	simm.s32 $0xED00  }
0x5: {  	s30 =	simm.s32 $0x2;
	s1 =	sand.u32 $0x1, s1;
	s2 =	sshll.u32 s15, $0x1  }
0x6: {  	s31 =	simm.s32 $0x80;
	s15 =	sshll.u32 s15, $0x6;
	s5 =	sor.u32 s1, s2  }
0x7: {  	s2 =	simm.s32 $0x0;
	s1 =	ssub.s32 $0x2, s1;
	s16 =	sand.u32 $0x300, s15  }
0x8: {  	s7 =	smul.u32 $0xC350, s5;
	[smem:$0x7FF] =	sst s2;
	s5 =	sshll.u32 s5, $0x4  }
0x9: {  	s8 =	sshrl.u32 s1, $0x1;
	_ =	strace $0x80000047;
	s5 =	sand.u32 $0x70, s5  }
0xa: {  	s1 =	ssub.s32 s1, s8;
	s7 =	sshrl.u32 s7, $0x3;
	s26 =	sor.u32 s16, s5  }
0xb: {  	s21 =	sadd.s32 s0, s7;
	s22 =	sadd.s32 s3, s7;
	s23 =	sadd.s32 s4, s7  }
0xc: {  	s24 =	sadd.s32 $0x4E2, s7;
	s11 =	sadd.s32 $0x9C4, s7;
	[dreg:$0x5] =	wrdreg s21  }
0xd: {  	s14 =	sadd.s32 $0xEA6, s7;
	s7 =	sadd.s32 $0x1388, s7;
	[dreg:$0x6] =	wrdreg s22  }
0xe: {  	s18 =	sadd.s32 s6, s26;
	s26 =	simm.s32 $0xC580;
	[dreg:$0x7] =	wrdreg s23  }
0xf: {  	s9 =	sadd.s32 s0, s24;
	s25 =	sadd.s32 s3, s24;
	s8 =	sadd.s32 s4, s24  }
0x10: {  	v0 =	vimm.f32 $0.0e+00;
	v1 =	vlaneseq.u32;
	s10 =	sadd.s32 s3, s11;
	s12 =	sadd.s32 s0, s14;
	s13 =	sadd.s32 s3, s14  }
0x11: {  	v2 =	vimm.f32 $1.000000000e+00;
	vm0 =	vmmov $0x1;
	vm1 =	vmmov $0x3;
	s14 =	sadd.s32 s4, s14;
	s15 =	sadd.s32 s0, s7;
	s16 =	sadd.s32 s3, s7  }
0x12: {  	vm2 =	vmmov $0x7;
	vm3 =	vmmov $0xf;
	vm4 =	vmmov $0x1f;
	s17 =	sadd.s32 s4, s7;
	s19 =	sadd.s32 $0x400, s18;
	s20 =	sadd.s32 $0x800, s18  }
0x13: {  	vm5 =	vmmov $0x3f;
	vm6 =	vmmov $0x7f;
	vm7 =	vmmov $0xff;
	s21 =	smax.u32 s1, $0x1;
	s22 =	simm.s32 $0x4F00;
	s23 =	simm.s32 $0x9E00  }
0x14: {  	vm8 =	vmmov $0x1ff;
	vm9 =	vmmov $0x3ff;
	vm10 =	vmmov $0x7ff;
	s24 =	simm.s32 $0x2780;
	s1 =	simm.s32 $0x400;
	[dreg:$0x8] =	wrdreg s9  }
0x15: {  	vm11 =	vmmov $0xfff;
	vm12 =	vmmov $0x1fff;
	vm13 =	vmmov $0x3fff;
	s3 =	simm.s32 $0x0;
	[dreg:$0x9] =	wrdreg s25;
	s9 =	sadd.s32 s0, s11  }
0x16: {  	vm14 =	vmmov $0x7fff;
	v3 =	vor.u32 $0x1000, v1;
	v4 =	vor.u32 $0x2000, v1;
	s11 =	sadd.s32 s4, s11;
	s25 =	simm.s32 $0x7680;
	s0 =	simm.s32 $0x3  }
.LBB2_1:
0x17: {  	s4 =	simm.s32 $0xED80  }
0x18: {  	[tilespmem:s4+$0xFFFFFF80] =	vst v0  }
0x19: {  	[tilespmem:s4+$0x70] =	vst v0  }
0x1a: {  	[tilespmem:s4+$0x60] =	vst v0  }
0x1b: {  	[tilespmem:s4+$0x50] =	vst v0  }
0x1c: {  	[tilespmem:s4+$0x40] =	vst v0  }
0x1d: {  	[tilespmem:s4+$0x30] =	vst v0  }
0x1e: {  	[tilespmem:s4+$0x20] =	vst v0  }
0x1f: {  	[tilespmem:s4+$0x10] =	vst v0  }
0x20: {  	[tilespmem:s4+$0x0] =	vst v0  }
0x21: {  	[tilespmem:s4+$0xFFFFFFF0] =	vst v0  }
0x22: {  	[tilespmem:s4+$0xFFFFFFE0] =	vst v0  }
0x23: {  	[tilespmem:s4+$0xFFFFFFD0] =	vst v0  }
0x24: {  	[tilespmem:s4+$0xFFFFFFC0] =	vst v0  }
0x25: {  	[tilespmem:s4+$0xFFFFFFB0] =	vst v0  }
0x26: {  	s5 =	simm.s32 $0x0;
	[tilespmem:s4+$0xFFFFFFA0] =	vst v0  }
.LBB2_2:
0x27: {  	s5 =	sadd.s32 $0x10, s5;
	[tilespmem:s4+$0xFFFFFF90] =	vst v0;
	s4 =	sadd.s32 $0x100, s4  }
0x28: {  	[tilespmem:s4+$0xFFFFFF80] =	vst v0;
	p0 =	slt.u32 s5, $0x2F0  }
0x29: {  	[tilespmem:s4+$0x70] =	vst v0  }
0x2a: {  	[tilespmem:s4+$0x60] =	vst v0  }
0x2b: {  	[tilespmem:s4+$0x50] =	vst v0  }
0x2c: {  	[tilespmem:s4+$0x40] =	vst v0  }
0x2d: {  	[tilespmem:s4+$0x30] =	vst v0  }
0x2e: {  	[tilespmem:s4+$0x20] =	vst v0  }
0x2f: {  	[tilespmem:s4+$0x10] =	vst v0  }
0x30: {  	[tilespmem:s4+$0x0] =	vst v0  }
0x31: {  	[tilespmem:s4+$0xFFFFFFF0] =	vst v0  }
.Ltmp0:
0x32: {  	[tilespmem:s4+$0xFFFFFFE0] =	vst v0;
	(pc) =	sbr.rel @p0 .LBB2_2-.Ltmp0, $4  }
0x33: {  	[tilespmem:s4+$0xFFFFFFD0] =	vst v0  }
0x34: {  	[tilespmem:s4+$0xFFFFFFC0] =	vst v0  }
0x35: {  	[tilespmem:s4+$0xFFFFFFB0] =	vst v0  }
0x36: {  	[tilespmem:s4+$0xFFFFFFA0] =	vst v0  }
0x37: {  	[tilespmem:s4+$0xFFFFFF90] =	vst v0  }
0x38: {  	s4 =	rddreg [dreg:$0x5]  }
0x39: {  	[tilespmem:s2], [sflag:$0x1] =	stream.linear.gather [hbm4b:s4+s2], $0x2710, $0x38;
	[tilespmem:$0x12000] =	vst v63  }
0x3a: {  	s7 =	rddreg [dreg:$0x6]  }
0x3b: {  	[tilespmem:s22], [sflag:$0x1] =	stream.linear.gather [hbm4b:s7+s2], $0x2710, $0x38;
	[tilespmem:$0x12000] =	vst v63  }
0x3c: {  	s5 =	rddreg [dreg:$0x7]  }
0x3d: {  	[tilespmem:s23], [sflag:$0x1] =	stream.linear.gather [hbm4b:s5+s2], $0x2710, $0x38;
	[tilespmem:$0x12000] =	vst v63  }
0x3e: {  	s6 =	rddreg [dreg:$0x8]  }
0x3f: {  	[tilespmem:s24], [sflag:$0x2] =	stream.linear.gather [hbm4b:s6+s2], $0x2710, $0x38;
	[tilespmem:$0x12000] =	vst v63  }
0x40: {  	s7 =	rddreg [dreg:$0x9]  }
0x41: {  	[tilespmem:s25], [sflag:$0x2] =	stream.linear.gather [hbm4b:s7+s2], $0x2710, $0x38;
	[tilespmem:$0x12000] =	vst v63  }
0x42: {  	_ = 	snop  }
0x43: {  	[tilespmem:s26], [sflag:$0x2] =	stream.linear.gather [hbm4b:s8+s2], $0x2710, $0x38;
	[tilespmem:$0x12000] =	vst v63  }
0x44: {  	_ =	swait.ge [sflag:s28], $0x2710  }
0x45: {  	[sflag:s28] =	ssyncset.done $0x0  }
0x46: {  	[sflag:s28] =	ssyncadd.s32 $0xFFFFD8F0  }
0x47: {  	_ =	swait.ge [sflag:s28], $0x2710  }
0x48: {  	[sflag:s28] =	ssyncset.done $0x0  }
0x49: {  	[sflag:s28] =	ssyncadd.s32 $0xFFFFD8F0  }
0x4a: {  	_ =	swait.ge [sflag:s28], $0x2710  }
0x4b: {  	[sflag:s28] =	ssyncset.done $0x0  }
0x4c: {  	s6 =	simm.s32 $0x4F20;
	[sflag:s28] =	ssyncadd.s32 $0xFFFFD8F0  }
0x4d: {  	s5 =	simm.s32 $0x9E20;
	v5 =	vld [tilespmem:s6+$0xFFFFFFE0]  }
0x4e: {  	v6 =	vld [tilespmem:s5+$0xFFFFFFE0];
	_ =	sdelay $0x1  }
0x4f: {  	v8 =	vld [tilespmem:s6+$0xFFFFFFF0]  }
0x50: {  	v9 =	vld [tilespmem:s5+$0xFFFFFFF0];
	_ =	sdelay $0x1  }
0x51: {  	v13 =	vld [tilespmem:s5+$0x10];
	v6 =	vshll.u32 v6, $0x9;
	v7 =	vshll.u32 v5, $0x4  }
0x52: {  	v16 =	vld [tilespmem:s6+$0x0];
	v7 =	vadd.s32 v7, v6  }
0x53: {  	s4 =	simm.s32 $0x20;
	v15 =	vld [tilespmem:s5+$0x0];
	v11 =	vor.u32 v1, v7  }
0x54: {  	v12 =	vld [tilespmem:s4+$0xFFFFFFF0];
	v9 =	vshll.u32 v9, $0x9;
	v8 =	vshll.u32 v8, $0x4  }
0x55: {  	v5 =	vld [tilespmem:s4+$0x10];
	v17 =	vadd.s32 v8, v9  }
0x56: {  	v6 =	vld [tilespmem:s4+$0x0];
	v14 =	vor.u32 v1, v17  }
0x57: {  	v8 =	vld [tilespmem:s4+$0xFFFFFFE0]  }
0x58: {  	v13 =	vshll.u32 v13, $0x9;
	v10 =	vadd.s32 v3, v17;
	[tilespmem:v11+s29+$0x0] =	vst.idx.add.f32.msk $0xffff, v2  }
0x59: {  	s7 =	simm.s32 $0x4F60;
	s5 =	simm.s32 $0x0;
	v9 =	vadd.s32 v3, v7;
	v11 =	vadd.s32 v4, v17;
	v17 =	vshll.u32 v16, $0x4;
	v16 =	vld [tilespmem:s6+$0x10];
	s6 =	simm.s32 $0x9E60  }
.LBB2_4:
0x5a: {  	v18 =	vld [tilespmem:s7+$0xFFFFFFE0];
	s5 =	sadd.s32 $0x40, s5;
	v15 =	vshll.u32 v15, $0x9;
	s4 =	sadd.s32 $0x40, s4  }
0x5b: {  	p0 =	slt.u32 s5, $0x26C0;
	[tilespmem:v14+s29+$0x0] =	vst.idx.add.f32.msk $0xffff, v2;
	v14 =	vadd.s32 v17, v15  }
0x5c: {  	v15 =	vld [tilespmem:s7+$0xFFFFFFF0];
	v17 =	vor.u32 v1, v14  }
0x5d: {  	[tilespmem:v10+s29+$0x0] =	vst.idx.add.f32.msk $0xffff, v12;
	v10 =	vmul.f32 v12, v12;
	v12 =	vadd.s32 v3, v14  }
0x5e: {  	v14 =	vadd.s32 v4, v14;
	v19 =	vld [tilespmem:s6+$0xFFFFFFF0];
	v16 =	vshll.u32 v16, $0x4  }
0x5f: {  	[tilespmem:v11+s29+$0x0] =	vst.idx.add.f32.msk $0xffff, v10;
	v10 =	vadd.s32 v16, v13  }
0x60: {  	[tilespmem:v9+s29+$0x0] =	vst.idx.add.f32.msk $0xffff, v8;
	v9 =	vor.u32 v1, v10  }
0x61: {  	v11 =	vadd.s32 v3, v10;
	[tilespmem:v17+s29+$0x0] =	vst.idx.add.f32.msk $0xffff, v2  }
0x62: {  	v7 =	vadd.s32 v4, v7;
	v16 =	vmul.f32 v6, v6;
	v10 =	vadd.s32 v4, v10;
	v13 =	vld [tilespmem:s6+$0xFFFFFFE0]  }
0x63: {  	[tilespmem:v12+s29+$0x0] =	vst.idx.add.f32.msk $0xffff, v6  }
0x64: {  	v6 =	vmul.f32 v8, v8;
	[tilespmem:v14+s29+$0x0] =	vst.idx.add.f32.msk $0xffff, v16  }
0x65: {  	v8 =	vmul.f32 v5, v5;
	[tilespmem:v9+s29+$0x0] =	vst.idx.add.f32.msk $0xffff, v2  }
0x66: {  	[tilespmem:v11+s29+$0x0] =	vst.idx.add.f32.msk $0xffff, v5  }
0x67: {  	v9 =	vshll.u32 v15, $0x4;
	v5 =	vshll.u32 v19, $0x9;
	[tilespmem:v10+s29+$0x0] =	vst.idx.add.f32.msk $0xffff, v8  }
0x68: {  	v8 =	vadd.s32 v9, v5;
	[tilespmem:v7+s29+$0x0] =	vst.idx.add.f32.msk $0xffff, v6  }
0x69: {  	v6 =	vshll.u32 v13, $0x9;
	v7 =	vshll.u32 v18, $0x4;
	v5 =	vld [tilespmem:s4+$0x10]  }
0x6a: {  	v10 =	vadd.s32 v3, v8;
	v7 =	vadd.s32 v7, v6;
	v6 =	vld [tilespmem:s4+$0x0]  }
0x6b: {  	v13 =	vor.u32 v1, v7;
	v9 =	vadd.s32 v3, v7;
	v16 =	vld [tilespmem:s6+$0x10]  }
0x6c: {  	v14 =	vor.u32 v1, v8;
	v11 =	vadd.s32 v4, v8;
	v17 =	vld [tilespmem:s7+$0x0]  }
.Ltmp1:
0x6d: {  	v15 =	vld [tilespmem:s6+$0x0];
	(pc) =	sbr.rel @p0 .LBB2_4-.Ltmp1, $4  }
0x6e: {  	v12 =	vld [tilespmem:s4+$0xFFFFFFF0]  }
0x6f: {  	v8 =	vld [tilespmem:s4+$0xFFFFFFE0]  }
0x70: {  	[tilespmem:v13+s29+$0x0] =	vst.idx.add.f32.msk $0xffff, v2;
	v13 =	vshll.u32 v16, $0x9  }
0x71: {  	s6 =	sadd.s32 $0x40, s6;
	v17 =	vshll.u32 v17, $0x4;
	v16 =	vld [tilespmem:s7+$0x10];
	s7 =	sadd.s32 $0x40, s7  }
0x72: {  	_ =	sdelay $0x1  }
0x73: {  	v15 =	vshll.u32 v15, $0x9  }
0x74: {  	v7 =	vadd.s32 v4, v7;
	v15 =	vadd.s32 v17, v15  }
0x75: {  	[tilespmem:v14+s29+$0x0] =	vst.idx.add.f32.msk $0xffff, v2;
	v14 =	vmul.f32 v12, v12;
	v17 =	vor.u32 v1, v15  }
0x76: {  	[tilespmem:v10+s29+$0x0] =	vst.idx.add.f32.msk $0xffff, v12;
	v18 =	vadd.s32 v3, v15;
	v10 =	vadd.s32 v4, v15;
	v16 =	vshll.u32 v16, $0x4  }
0x77: {  	[tilespmem:v9+s29+$0x0] =	vst.idx.add.f32.msk $0xffff, v8;
	v8 =	vmul.f32 v8, v8;
	v12 =	vadd.s32 v16, v13  }
0x78: {  	[tilespmem:v11+s29+$0x0] =	vst.idx.add.f32.msk $0xffff, v14;
	v11 =	vor.u32 v1, v12  }
0x79: {  	[tilespmem:v7+s29+$0x0] =	vst.idx.add.f32.msk $0xffff, v8;
	v9 =	vadd.s32 v3, v12  }
0x7a: {  	v13 =	vmul.f32 v6, v6;
	v12 =	vadd.s32 v4, v12;
	[tilespmem:v17+s29+$0x0] =	vst.idx.add.f32.msk $0xffff, v2  }
0x7b: {  	[tilespmem:v18+s29+$0x0] =	vst.idx.add.f32.msk $0xffff, v6  }
0x7c: {  	[tilespmem:v10+s29+$0x0] =	vst.idx.add.f32.msk $0xffff, v13  }
0x7d: {  	v6 =	vmul.f32 v5, v5;
	[tilespmem:v11+s29+$0x0] =	vst.idx.add.f32.msk $0xffff, v2  }
0x7e: {  	[tilespmem:v9+s29+$0x0] =	vst.idx.add.f32.msk $0xffff, v5  }
0x7f: {  	[tilespmem:v12+s29+$0x0] =	vst.idx.add.f32.msk $0xffff, v6  }
0x80: {  	v5 =	vld [tilespmem:$0x7600]  }
0x81: {  	v6 =	vld [tilespmem:$0xC500];
	_ =	sdelay $0x4  }
0x82: {  	v6 =	vshll.u32 v6, $0x9;
	v5 =	vshll.u32 v5, $0x4  }
0x83: {  	v5 =	vadd.s32 v5, v6  }
0x84: {  	v6 =	vld [tilespmem:$0x2700];
	v7 =	vor.u32 v1, v5  }
0x85: {  	v8 =	vadd.s32 v3, v5  }
0x86: {  	v5 =	vadd.s32 v4, v5;
	_ =	sdelay $0x2  }
0x87: {  	[tilespmem:v7+s29+$0x0] =	vst.idx.add.f32.msk $0xffff, v2;
	v7 =	vmul.f32 v6, v6  }
0x88: {  	[tilespmem:v8+s29+$0x0] =	vst.idx.add.f32.msk $0xffff, v6  }
0x89: {  	[tilespmem:v5+s29+$0x0] =	vst.idx.add.f32.msk $0xffff, v7  }
0x8a: {  	[tilespmem:s2], [sflag:$0x1] =	stream.linear.gather [hbm4b:s9+s2], $0x2710, $0x38;
	[tilespmem:$0x12000] =	vst v63  }
0x8b: {  	_ = 	snop  }
0x8c: {  	[tilespmem:s22], [sflag:$0x1] =	stream.linear.gather [hbm4b:s10+s2], $0x2710, $0x38;
	[tilespmem:$0x12000] =	vst v63  }
0x8d: {  	_ = 	snop  }
0x8e: {  	[tilespmem:s23], [sflag:$0x1] =	stream.linear.gather [hbm4b:s11+s2], $0x2710, $0x38;
	[tilespmem:$0x12000] =	vst v63  }
0x8f: {  	_ =	swait.ge [sflag:s30], $0x2710  }
0x90: {  	[sflag:s30] =	ssyncset.done $0x0  }
0x91: {  	[sflag:s30] =	ssyncadd.s32 $0xFFFFD8F0  }
0x92: {  	_ =	swait.ge [sflag:s30], $0x2710  }
0x93: {  	[sflag:s30] =	ssyncset.done $0x0  }
0x94: {  	[sflag:s30] =	ssyncadd.s32 $0xFFFFD8F0  }
0x95: {  	_ =	swait.ge [sflag:s30], $0x2710  }
0x96: {  	[sflag:s30] =	ssyncset.done $0x0  }
0x97: {  	s6 =	simm.s32 $0x76A0;
	[sflag:s30] =	ssyncadd.s32 $0xFFFFD8F0  }
0x98: {  	s5 =	simm.s32 $0xC5A0;
	v5 =	vld [tilespmem:s6+$0xFFFFFFE0]  }
0x99: {  	v6 =	vld [tilespmem:s5+$0xFFFFFFE0];
	_ =	sdelay $0x1  }
0x9a: {  	v8 =	vld [tilespmem:s6+$0xFFFFFFF0]  }
0x9b: {  	v9 =	vld [tilespmem:s5+$0xFFFFFFF0];
	_ =	sdelay $0x1  }
0x9c: {  	v13 =	vld [tilespmem:s5+$0x10];
	v6 =	vshll.u32 v6, $0x9;
	v7 =	vshll.u32 v5, $0x4  }
0x9d: {  	v16 =	vld [tilespmem:s6+$0x0];
	v7 =	vadd.s32 v7, v6  }
0x9e: {  	s4 =	simm.s32 $0x27A0;
	v15 =	vld [tilespmem:s5+$0x0];
	v11 =	vor.u32 v1, v7  }
0x9f: {  	v12 =	vld [tilespmem:s4+$0xFFFFFFF0];
	v9 =	vshll.u32 v9, $0x9;
	v8 =	vshll.u32 v8, $0x4  }
0xa0: {  	v5 =	vld [tilespmem:s4+$0x10];
	v17 =	vadd.s32 v8, v9  }
0xa1: {  	v6 =	vld [tilespmem:s4+$0x0];
	v14 =	vor.u32 v1, v17  }
0xa2: {  	v8 =	vld [tilespmem:s4+$0xFFFFFFE0]  }
0xa3: {  	v13 =	vshll.u32 v13, $0x9;
	v10 =	vadd.s32 v3, v17;
	[tilespmem:v11+s29+$0x0] =	vst.idx.add.f32.msk $0xffff, v2  }
0xa4: {  	s7 =	simm.s32 $0x76E0;
	s5 =	simm.s32 $0x0;
	v9 =	vadd.s32 v3, v7;
	v11 =	vadd.s32 v4, v17;
	v17 =	vshll.u32 v16, $0x4;
	v16 =	vld [tilespmem:s6+$0x10];
	s6 =	simm.s32 $0xC5E0  }
.LBB2_6:
0xa5: {  	v18 =	vld [tilespmem:s7+$0xFFFFFFE0];
	s5 =	sadd.s32 $0x40, s5;
	v15 =	vshll.u32 v15, $0x9;
	s4 =	sadd.s32 $0x40, s4  }
0xa6: {  	p0 =	slt.u32 s5, $0x26C0;
	[tilespmem:v14+s29+$0x0] =	vst.idx.add.f32.msk $0xffff, v2;
	v14 =	vadd.s32 v17, v15  }
0xa7: {  	v15 =	vld [tilespmem:s7+$0xFFFFFFF0];
	v17 =	vor.u32 v1, v14  }
0xa8: {  	[tilespmem:v10+s29+$0x0] =	vst.idx.add.f32.msk $0xffff, v12;
	v10 =	vmul.f32 v12, v12;
	v12 =	vadd.s32 v3, v14  }
0xa9: {  	v14 =	vadd.s32 v4, v14;
	v19 =	vld [tilespmem:s6+$0xFFFFFFF0];
	v16 =	vshll.u32 v16, $0x4  }
0xaa: {  	[tilespmem:v11+s29+$0x0] =	vst.idx.add.f32.msk $0xffff, v10;
	v10 =	vadd.s32 v16, v13  }
0xab: {  	[tilespmem:v9+s29+$0x0] =	vst.idx.add.f32.msk $0xffff, v8;
	v9 =	vor.u32 v1, v10  }
0xac: {  	v11 =	vadd.s32 v3, v10;
	[tilespmem:v17+s29+$0x0] =	vst.idx.add.f32.msk $0xffff, v2  }
0xad: {  	v7 =	vadd.s32 v4, v7;
	v16 =	vmul.f32 v6, v6;
	v10 =	vadd.s32 v4, v10;
	v13 =	vld [tilespmem:s6+$0xFFFFFFE0]  }
0xae: {  	[tilespmem:v12+s29+$0x0] =	vst.idx.add.f32.msk $0xffff, v6  }
0xaf: {  	v6 =	vmul.f32 v8, v8;
	[tilespmem:v14+s29+$0x0] =	vst.idx.add.f32.msk $0xffff, v16  }
0xb0: {  	v8 =	vmul.f32 v5, v5;
	[tilespmem:v9+s29+$0x0] =	vst.idx.add.f32.msk $0xffff, v2  }
0xb1: {  	[tilespmem:v11+s29+$0x0] =	vst.idx.add.f32.msk $0xffff, v5  }
0xb2: {  	v9 =	vshll.u32 v15, $0x4;
	v5 =	vshll.u32 v19, $0x9;
	[tilespmem:v10+s29+$0x0] =	vst.idx.add.f32.msk $0xffff, v8  }
0xb3: {  	v8 =	vadd.s32 v9, v5;
	[tilespmem:v7+s29+$0x0] =	vst.idx.add.f32.msk $0xffff, v6  }
0xb4: {  	v6 =	vshll.u32 v13, $0x9;
	v7 =	vshll.u32 v18, $0x4;
	v5 =	vld [tilespmem:s4+$0x10]  }
0xb5: {  	v10 =	vadd.s32 v3, v8;
	v7 =	vadd.s32 v7, v6;
	v6 =	vld [tilespmem:s4+$0x0]  }
0xb6: {  	v13 =	vor.u32 v1, v7;
	v9 =	vadd.s32 v3, v7;
	v16 =	vld [tilespmem:s6+$0x10]  }
0xb7: {  	v14 =	vor.u32 v1, v8;
	v11 =	vadd.s32 v4, v8;
	v17 =	vld [tilespmem:s7+$0x0]  }
.Ltmp2:
0xb8: {  	v15 =	vld [tilespmem:s6+$0x0];
	(pc) =	sbr.rel @p0 .LBB2_6-.Ltmp2, $4  }
0xb9: {  	v12 =	vld [tilespmem:s4+$0xFFFFFFF0]  }
0xba: {  	v8 =	vld [tilespmem:s4+$0xFFFFFFE0]  }
0xbb: {  	[tilespmem:v13+s29+$0x0] =	vst.idx.add.f32.msk $0xffff, v2;
	v13 =	vshll.u32 v16, $0x9  }
0xbc: {  	s6 =	sadd.s32 $0x40, s6;
	v17 =	vshll.u32 v17, $0x4;
	v16 =	vld [tilespmem:s7+$0x10];
	s7 =	sadd.s32 $0x40, s7  }
0xbd: {  	_ =	sdelay $0x1  }
0xbe: {  	v15 =	vshll.u32 v15, $0x9  }
0xbf: {  	v7 =	vadd.s32 v4, v7;
	v15 =	vadd.s32 v17, v15  }
0xc0: {  	[tilespmem:v14+s29+$0x0] =	vst.idx.add.f32.msk $0xffff, v2;
	v14 =	vmul.f32 v12, v12;
	v17 =	vor.u32 v1, v15  }
0xc1: {  	[tilespmem:v10+s29+$0x0] =	vst.idx.add.f32.msk $0xffff, v12;
	v18 =	vadd.s32 v3, v15;
	v10 =	vadd.s32 v4, v15;
	v16 =	vshll.u32 v16, $0x4  }
0xc2: {  	[tilespmem:v9+s29+$0x0] =	vst.idx.add.f32.msk $0xffff, v8;
	v8 =	vmul.f32 v8, v8;
	v12 =	vadd.s32 v16, v13  }
0xc3: {  	[tilespmem:v11+s29+$0x0] =	vst.idx.add.f32.msk $0xffff, v14;
	v11 =	vor.u32 v1, v12  }
0xc4: {  	[tilespmem:v7+s29+$0x0] =	vst.idx.add.f32.msk $0xffff, v8;
	v9 =	vadd.s32 v3, v12  }
0xc5: {  	v13 =	vmul.f32 v6, v6;
	v12 =	vadd.s32 v4, v12;
	[tilespmem:v17+s29+$0x0] =	vst.idx.add.f32.msk $0xffff, v2  }
0xc6: {  	[tilespmem:v18+s29+$0x0] =	vst.idx.add.f32.msk $0xffff, v6  }
0xc7: {  	[tilespmem:v10+s29+$0x0] =	vst.idx.add.f32.msk $0xffff, v13  }
0xc8: {  	v6 =	vmul.f32 v5, v5;
	[tilespmem:v11+s29+$0x0] =	vst.idx.add.f32.msk $0xffff, v2  }
0xc9: {  	[tilespmem:v9+s29+$0x0] =	vst.idx.add.f32.msk $0xffff, v5  }
0xca: {  	[tilespmem:v12+s29+$0x0] =	vst.idx.add.f32.msk $0xffff, v6  }
0xcb: {  	v5 =	vld [tilespmem:$0x9D80]  }
0xcc: {  	v6 =	vld [tilespmem:$0xEC80];
	_ =	sdelay $0x4  }
0xcd: {  	v6 =	vshll.u32 v6, $0x9;
	v5 =	vshll.u32 v5, $0x4  }
0xce: {  	v5 =	vadd.s32 v5, v6  }
0xcf: {  	v6 =	vld [tilespmem:$0x4E80];
	v7 =	vor.u32 v1, v5  }
0xd0: {  	v8 =	vadd.s32 v3, v5  }
0xd1: {  	v5 =	vadd.s32 v4, v5;
	_ =	sdelay $0x2  }
0xd2: {  	[tilespmem:v7+s29+$0x0] =	vst.idx.add.f32.msk $0xffff, v2;
	v7 =	vmul.f32 v6, v6  }
0xd3: {  	[tilespmem:v8+s29+$0x0] =	vst.idx.add.f32.msk $0xffff, v6  }
0xd4: {  	[tilespmem:v5+s29+$0x0] =	vst.idx.add.f32.msk $0xffff, v7  }
0xd5: {  	[tilespmem:s24], [sflag:$0x2] =	stream.linear.gather [hbm4b:s12+s2], $0x2710, $0x38;
	[tilespmem:$0x12000] =	vst v63  }
0xd6: {  	_ = 	snop  }
0xd7: {  	[tilespmem:s25], [sflag:$0x2] =	stream.linear.gather [hbm4b:s13+s2], $0x2710, $0x38;
	[tilespmem:$0x12000] =	vst v63  }
0xd8: {  	_ = 	snop  }
0xd9: {  	[tilespmem:s26], [sflag:$0x2] =	stream.linear.gather [hbm4b:s14+s2], $0x2710, $0x38;
	[tilespmem:$0x12000] =	vst v63  }
0xda: {  	_ =	swait.ge [sflag:s28], $0x2710  }
0xdb: {  	[sflag:s28] =	ssyncset.done $0x0  }
0xdc: {  	[sflag:s28] =	ssyncadd.s32 $0xFFFFD8F0  }
0xdd: {  	_ =	swait.ge [sflag:s28], $0x2710  }
0xde: {  	[sflag:s28] =	ssyncset.done $0x0  }
0xdf: {  	[sflag:s28] =	ssyncadd.s32 $0xFFFFD8F0  }
0xe0: {  	_ =	swait.ge [sflag:s28], $0x2710  }
0xe1: {  	[sflag:s28] =	ssyncset.done $0x0  }
0xe2: {  	s6 =	simm.s32 $0x4F20;
	[sflag:s28] =	ssyncadd.s32 $0xFFFFD8F0  }
0xe3: {  	s5 =	simm.s32 $0x9E20;
	v5 =	vld [tilespmem:s6+$0xFFFFFFE0]  }
0xe4: {  	v6 =	vld [tilespmem:s5+$0xFFFFFFE0];
	_ =	sdelay $0x1  }
0xe5: {  	v8 =	vld [tilespmem:s6+$0xFFFFFFF0]  }
0xe6: {  	v9 =	vld [tilespmem:s5+$0xFFFFFFF0];
	_ =	sdelay $0x1  }
0xe7: {  	v13 =	vld [tilespmem:s5+$0x10];
	v6 =	vshll.u32 v6, $0x9;
	v7 =	vshll.u32 v5, $0x4  }
0xe8: {  	v16 =	vld [tilespmem:s6+$0x0];
	v7 =	vadd.s32 v7, v6  }
0xe9: {  	s4 =	simm.s32 $0x20;
	v15 =	vld [tilespmem:s5+$0x0];
	v11 =	vor.u32 v1, v7  }
0xea: {  	v12 =	vld [tilespmem:s4+$0xFFFFFFF0];
	v9 =	vshll.u32 v9, $0x9;
	v8 =	vshll.u32 v8, $0x4  }
0xeb: {  	v5 =	vld [tilespmem:s4+$0x10];
	v17 =	vadd.s32 v8, v9  }
0xec: {  	v6 =	vld [tilespmem:s4+$0x0];
	v14 =	vor.u32 v1, v17  }
0xed: {  	v8 =	vld [tilespmem:s4+$0xFFFFFFE0]  }
0xee: {  	v13 =	vshll.u32 v13, $0x9;
	v10 =	vadd.s32 v3, v17;
	[tilespmem:v11+s29+$0x0] =	vst.idx.add.f32.msk $0xffff, v2  }
0xef: {  	s7 =	simm.s32 $0x4F60;
	s5 =	simm.s32 $0x0;
	v9 =	vadd.s32 v3, v7;
	v11 =	vadd.s32 v4, v17;
	v17 =	vshll.u32 v16, $0x4;
	v16 =	vld [tilespmem:s6+$0x10];
	s6 =	simm.s32 $0x9E60  }
.LBB2_8:
0xf0: {  	v18 =	vld [tilespmem:s7+$0xFFFFFFE0];
	s5 =	sadd.s32 $0x40, s5;
	v15 =	vshll.u32 v15, $0x9;
	s4 =	sadd.s32 $0x40, s4  }
0xf1: {  	p0 =	slt.u32 s5, $0x26C0;
	[tilespmem:v14+s29+$0x0] =	vst.idx.add.f32.msk $0xffff, v2;
	v14 =	vadd.s32 v17, v15  }
0xf2: {  	v15 =	vld [tilespmem:s7+$0xFFFFFFF0];
	v17 =	vor.u32 v1, v14  }
0xf3: {  	[tilespmem:v10+s29+$0x0] =	vst.idx.add.f32.msk $0xffff, v12;
	v10 =	vmul.f32 v12, v12;
	v12 =	vadd.s32 v3, v14  }
0xf4: {  	v14 =	vadd.s32 v4, v14;
	v19 =	vld [tilespmem:s6+$0xFFFFFFF0];
	v16 =	vshll.u32 v16, $0x4  }
0xf5: {  	[tilespmem:v11+s29+$0x0] =	vst.idx.add.f32.msk $0xffff, v10;
	v10 =	vadd.s32 v16, v13  }
0xf6: {  	[tilespmem:v9+s29+$0x0] =	vst.idx.add.f32.msk $0xffff, v8;
	v9 =	vor.u32 v1, v10  }
0xf7: {  	v11 =	vadd.s32 v3, v10;
	[tilespmem:v17+s29+$0x0] =	vst.idx.add.f32.msk $0xffff, v2  }
0xf8: {  	v7 =	vadd.s32 v4, v7;
	v16 =	vmul.f32 v6, v6;
	v10 =	vadd.s32 v4, v10;
	v13 =	vld [tilespmem:s6+$0xFFFFFFE0]  }
0xf9: {  	[tilespmem:v12+s29+$0x0] =	vst.idx.add.f32.msk $0xffff, v6  }
0xfa: {  	v6 =	vmul.f32 v8, v8;
	[tilespmem:v14+s29+$0x0] =	vst.idx.add.f32.msk $0xffff, v16  }
0xfb: {  	v8 =	vmul.f32 v5, v5;
	[tilespmem:v9+s29+$0x0] =	vst.idx.add.f32.msk $0xffff, v2  }
0xfc: {  	[tilespmem:v11+s29+$0x0] =	vst.idx.add.f32.msk $0xffff, v5  }
0xfd: {  	v9 =	vshll.u32 v15, $0x4;
	v5 =	vshll.u32 v19, $0x9;
	[tilespmem:v10+s29+$0x0] =	vst.idx.add.f32.msk $0xffff, v8  }
0xfe: {  	v8 =	vadd.s32 v9, v5;
	[tilespmem:v7+s29+$0x0] =	vst.idx.add.f32.msk $0xffff, v6  }
0xff: {  	v6 =	vshll.u32 v13, $0x9;
	v7 =	vshll.u32 v18, $0x4;
	v5 =	vld [tilespmem:s4+$0x10]  }
0x100: {  	v10 =	vadd.s32 v3, v8;
	v7 =	vadd.s32 v7, v6;
	v6 =	vld [tilespmem:s4+$0x0]  }
0x101: {  	v13 =	vor.u32 v1, v7;
	v9 =	vadd.s32 v3, v7;
	v16 =	vld [tilespmem:s6+$0x10]  }
0x102: {  	v14 =	vor.u32 v1, v8;
	v11 =	vadd.s32 v4, v8;
	v17 =	vld [tilespmem:s7+$0x0]  }
.Ltmp3:
0x103: {  	v15 =	vld [tilespmem:s6+$0x0];
	(pc) =	sbr.rel @p0 .LBB2_8-.Ltmp3, $4  }
0x104: {  	v12 =	vld [tilespmem:s4+$0xFFFFFFF0]  }
0x105: {  	v8 =	vld [tilespmem:s4+$0xFFFFFFE0]  }
0x106: {  	[tilespmem:v13+s29+$0x0] =	vst.idx.add.f32.msk $0xffff, v2;
	v13 =	vshll.u32 v16, $0x9  }
0x107: {  	s6 =	sadd.s32 $0x40, s6;
	v17 =	vshll.u32 v17, $0x4;
	v16 =	vld [tilespmem:s7+$0x10];
	s7 =	sadd.s32 $0x40, s7  }
0x108: {  	_ =	sdelay $0x1  }
0x109: {  	v15 =	vshll.u32 v15, $0x9  }
0x10a: {  	v7 =	vadd.s32 v4, v7;
	v15 =	vadd.s32 v17, v15  }
0x10b: {  	[tilespmem:v14+s29+$0x0] =	vst.idx.add.f32.msk $0xffff, v2;
	v14 =	vmul.f32 v12, v12;
	v17 =	vor.u32 v1, v15  }
0x10c: {  	[tilespmem:v10+s29+$0x0] =	vst.idx.add.f32.msk $0xffff, v12;
	v18 =	vadd.s32 v3, v15;
	v10 =	vadd.s32 v4, v15;
	v16 =	vshll.u32 v16, $0x4  }
0x10d: {  	[tilespmem:v9+s29+$0x0] =	vst.idx.add.f32.msk $0xffff, v8;
	v8 =	vmul.f32 v8, v8;
	v12 =	vadd.s32 v16, v13  }
0x10e: {  	[tilespmem:v11+s29+$0x0] =	vst.idx.add.f32.msk $0xffff, v14;
	v11 =	vor.u32 v1, v12  }
0x10f: {  	[tilespmem:v7+s29+$0x0] =	vst.idx.add.f32.msk $0xffff, v8;
	v9 =	vadd.s32 v3, v12  }
0x110: {  	v13 =	vmul.f32 v6, v6;
	v12 =	vadd.s32 v4, v12;
	[tilespmem:v17+s29+$0x0] =	vst.idx.add.f32.msk $0xffff, v2  }
0x111: {  	[tilespmem:v18+s29+$0x0] =	vst.idx.add.f32.msk $0xffff, v6  }
0x112: {  	[tilespmem:v10+s29+$0x0] =	vst.idx.add.f32.msk $0xffff, v13  }
0x113: {  	v6 =	vmul.f32 v5, v5;
	[tilespmem:v11+s29+$0x0] =	vst.idx.add.f32.msk $0xffff, v2  }
0x114: {  	[tilespmem:v9+s29+$0x0] =	vst.idx.add.f32.msk $0xffff, v5  }
0x115: {  	[tilespmem:v12+s29+$0x0] =	vst.idx.add.f32.msk $0xffff, v6  }
0x116: {  	v5 =	vld [tilespmem:$0x7600]  }
0x117: {  	v6 =	vld [tilespmem:$0xC500];
	_ =	sdelay $0x4  }
0x118: {  	v6 =	vshll.u32 v6, $0x9;
	v5 =	vshll.u32 v5, $0x4  }
0x119: {  	v5 =	vadd.s32 v5, v6  }
0x11a: {  	v6 =	vld [tilespmem:$0x2700];
	v7 =	vor.u32 v1, v5  }
0x11b: {  	v8 =	vadd.s32 v3, v5  }
0x11c: {  	v5 =	vadd.s32 v4, v5;
	_ =	sdelay $0x2  }
0x11d: {  	[tilespmem:v7+s29+$0x0] =	vst.idx.add.f32.msk $0xffff, v2;
	v7 =	vmul.f32 v6, v6  }
0x11e: {  	[tilespmem:v8+s29+$0x0] =	vst.idx.add.f32.msk $0xffff, v6  }
0x11f: {  	[tilespmem:v5+s29+$0x0] =	vst.idx.add.f32.msk $0xffff, v7  }
0x120: {  	[tilespmem:s2], [sflag:$0x1] =	stream.linear.gather [hbm4b:s15+s2], $0x2710, $0x38;
	[tilespmem:$0x12000] =	vst v63  }
0x121: {  	_ = 	snop  }
0x122: {  	[tilespmem:s22], [sflag:$0x1] =	stream.linear.gather [hbm4b:s16+s2], $0x2710, $0x38;
	[tilespmem:$0x12000] =	vst v63  }
0x123: {  	_ = 	snop  }
0x124: {  	[tilespmem:s23], [sflag:$0x1] =	stream.linear.gather [hbm4b:s17+s2], $0x2710, $0x38;
	[tilespmem:$0x12000] =	vst v63  }
0x125: {  	_ =	swait.ge [sflag:s30], $0x2710  }
0x126: {  	[sflag:s30] =	ssyncset.done $0x0  }
0x127: {  	[sflag:s30] =	ssyncadd.s32 $0xFFFFD8F0  }
0x128: {  	_ =	swait.ge [sflag:s30], $0x2710  }
0x129: {  	[sflag:s30] =	ssyncset.done $0x0  }
0x12a: {  	[sflag:s30] =	ssyncadd.s32 $0xFFFFD8F0  }
0x12b: {  	_ =	swait.ge [sflag:s30], $0x2710  }
0x12c: {  	[sflag:s30] =	ssyncset.done $0x0  }
0x12d: {  	s6 =	simm.s32 $0x76A0;
	[sflag:s30] =	ssyncadd.s32 $0xFFFFD8F0  }
0x12e: {  	s5 =	simm.s32 $0xC5A0;
	v5 =	vld [tilespmem:s6+$0xFFFFFFE0]  }
0x12f: {  	v6 =	vld [tilespmem:s5+$0xFFFFFFE0];
	_ =	sdelay $0x1  }
0x130: {  	v8 =	vld [tilespmem:s6+$0xFFFFFFF0]  }
0x131: {  	v9 =	vld [tilespmem:s5+$0xFFFFFFF0];
	_ =	sdelay $0x1  }
0x132: {  	v13 =	vld [tilespmem:s5+$0x10];
	v6 =	vshll.u32 v6, $0x9;
	v7 =	vshll.u32 v5, $0x4  }
0x133: {  	v16 =	vld [tilespmem:s6+$0x0];
	v7 =	vadd.s32 v7, v6  }
0x134: {  	s4 =	simm.s32 $0x27A0;
	v15 =	vld [tilespmem:s5+$0x0];
	v11 =	vor.u32 v1, v7  }
0x135: {  	v12 =	vld [tilespmem:s4+$0xFFFFFFF0];
	v9 =	vshll.u32 v9, $0x9;
	v8 =	vshll.u32 v8, $0x4  }
0x136: {  	v5 =	vld [tilespmem:s4+$0x10];
	v17 =	vadd.s32 v8, v9  }
0x137: {  	v6 =	vld [tilespmem:s4+$0x0];
	v14 =	vor.u32 v1, v17  }
0x138: {  	v8 =	vld [tilespmem:s4+$0xFFFFFFE0]  }
0x139: {  	v13 =	vshll.u32 v13, $0x9;
	v10 =	vadd.s32 v3, v17;
	[tilespmem:v11+s29+$0x0] =	vst.idx.add.f32.msk $0xffff, v2  }
0x13a: {  	s7 =	simm.s32 $0x76E0;
	s5 =	simm.s32 $0x0;
	v9 =	vadd.s32 v3, v7;
	v11 =	vadd.s32 v4, v17;
	v17 =	vshll.u32 v16, $0x4;
	v16 =	vld [tilespmem:s6+$0x10];
	s6 =	simm.s32 $0xC5E0  }
.LBB2_10:
0x13b: {  	v18 =	vld [tilespmem:s7+$0xFFFFFFE0];
	s5 =	sadd.s32 $0x40, s5;
	v15 =	vshll.u32 v15, $0x9;
	s4 =	sadd.s32 $0x40, s4  }
0x13c: {  	p0 =	slt.u32 s5, $0x26C0;
	[tilespmem:v14+s29+$0x0] =	vst.idx.add.f32.msk $0xffff, v2;
	v14 =	vadd.s32 v17, v15  }
0x13d: {  	v15 =	vld [tilespmem:s7+$0xFFFFFFF0];
	v17 =	vor.u32 v1, v14  }
0x13e: {  	[tilespmem:v10+s29+$0x0] =	vst.idx.add.f32.msk $0xffff, v12;
	v10 =	vmul.f32 v12, v12;
	v12 =	vadd.s32 v3, v14  }
0x13f: {  	v14 =	vadd.s32 v4, v14;
	v19 =	vld [tilespmem:s6+$0xFFFFFFF0];
	v16 =	vshll.u32 v16, $0x4  }
0x140: {  	[tilespmem:v11+s29+$0x0] =	vst.idx.add.f32.msk $0xffff, v10;
	v10 =	vadd.s32 v16, v13  }
0x141: {  	[tilespmem:v9+s29+$0x0] =	vst.idx.add.f32.msk $0xffff, v8;
	v9 =	vor.u32 v1, v10  }
0x142: {  	v11 =	vadd.s32 v3, v10;
	[tilespmem:v17+s29+$0x0] =	vst.idx.add.f32.msk $0xffff, v2  }
0x143: {  	v7 =	vadd.s32 v4, v7;
	v16 =	vmul.f32 v6, v6;
	v10 =	vadd.s32 v4, v10;
	v13 =	vld [tilespmem:s6+$0xFFFFFFE0]  }
0x144: {  	[tilespmem:v12+s29+$0x0] =	vst.idx.add.f32.msk $0xffff, v6  }
0x145: {  	v6 =	vmul.f32 v8, v8;
	[tilespmem:v14+s29+$0x0] =	vst.idx.add.f32.msk $0xffff, v16  }
0x146: {  	v8 =	vmul.f32 v5, v5;
	[tilespmem:v9+s29+$0x0] =	vst.idx.add.f32.msk $0xffff, v2  }
0x147: {  	[tilespmem:v11+s29+$0x0] =	vst.idx.add.f32.msk $0xffff, v5  }
0x148: {  	v9 =	vshll.u32 v15, $0x4;
	v5 =	vshll.u32 v19, $0x9;
	[tilespmem:v10+s29+$0x0] =	vst.idx.add.f32.msk $0xffff, v8  }
0x149: {  	v8 =	vadd.s32 v9, v5;
	[tilespmem:v7+s29+$0x0] =	vst.idx.add.f32.msk $0xffff, v6  }
0x14a: {  	v6 =	vshll.u32 v13, $0x9;
	v7 =	vshll.u32 v18, $0x4;
	v5 =	vld [tilespmem:s4+$0x10]  }
0x14b: {  	v10 =	vadd.s32 v3, v8;
	v7 =	vadd.s32 v7, v6;
	v6 =	vld [tilespmem:s4+$0x0]  }
0x14c: {  	v13 =	vor.u32 v1, v7;
	v9 =	vadd.s32 v3, v7;
	v16 =	vld [tilespmem:s6+$0x10]  }
0x14d: {  	v14 =	vor.u32 v1, v8;
	v11 =	vadd.s32 v4, v8;
	v17 =	vld [tilespmem:s7+$0x0]  }
.Ltmp4:
0x14e: {  	v15 =	vld [tilespmem:s6+$0x0];
	(pc) =	sbr.rel @p0 .LBB2_10-.Ltmp4, $4  }
0x14f: {  	v12 =	vld [tilespmem:s4+$0xFFFFFFF0]  }
0x150: {  	v8 =	vld [tilespmem:s4+$0xFFFFFFE0]  }
0x151: {  	[tilespmem:v13+s29+$0x0] =	vst.idx.add.f32.msk $0xffff, v2;
	v13 =	vshll.u32 v16, $0x9  }
0x152: {  	s6 =	sadd.s32 $0x40, s6;
	v17 =	vshll.u32 v17, $0x4;
	v16 =	vld [tilespmem:s7+$0x10];
	s7 =	sadd.s32 $0x40, s7  }
0x153: {  	_ =	sdelay $0x1  }
0x154: {  	v15 =	vshll.u32 v15, $0x9  }
0x155: {  	v7 =	vadd.s32 v4, v7;
	v15 =	vadd.s32 v17, v15  }
0x156: {  	[tilespmem:v14+s29+$0x0] =	vst.idx.add.f32.msk $0xffff, v2;
	v14 =	vmul.f32 v12, v12;
	v17 =	vor.u32 v1, v15  }
0x157: {  	[tilespmem:v10+s29+$0x0] =	vst.idx.add.f32.msk $0xffff, v12;
	v18 =	vadd.s32 v3, v15;
	v10 =	vadd.s32 v4, v15;
	v16 =	vshll.u32 v16, $0x4  }
0x158: {  	[tilespmem:v9+s29+$0x0] =	vst.idx.add.f32.msk $0xffff, v8;
	v8 =	vmul.f32 v8, v8;
	v12 =	vadd.s32 v16, v13  }
0x159: {  	[tilespmem:v11+s29+$0x0] =	vst.idx.add.f32.msk $0xffff, v14;
	v11 =	vor.u32 v1, v12  }
0x15a: {  	[tilespmem:v7+s29+$0x0] =	vst.idx.add.f32.msk $0xffff, v8;
	v9 =	vadd.s32 v3, v12  }
0x15b: {  	v13 =	vmul.f32 v6, v6;
	v12 =	vadd.s32 v4, v12;
	[tilespmem:v17+s29+$0x0] =	vst.idx.add.f32.msk $0xffff, v2  }
0x15c: {  	[tilespmem:v18+s29+$0x0] =	vst.idx.add.f32.msk $0xffff, v6  }
0x15d: {  	[tilespmem:v10+s29+$0x0] =	vst.idx.add.f32.msk $0xffff, v13  }
0x15e: {  	v6 =	vmul.f32 v5, v5;
	[tilespmem:v11+s29+$0x0] =	vst.idx.add.f32.msk $0xffff, v2  }
0x15f: {  	[tilespmem:v9+s29+$0x0] =	vst.idx.add.f32.msk $0xffff, v5  }
0x160: {  	[tilespmem:v12+s29+$0x0] =	vst.idx.add.f32.msk $0xffff, v6  }
0x161: {  	v5 =	vld [tilespmem:$0x9D80]  }
0x162: {  	v6 =	vld [tilespmem:$0xEC80];
	_ =	sdelay $0x4  }
0x163: {  	v6 =	vshll.u32 v6, $0x9;
	v5 =	vshll.u32 v5, $0x4  }
0x164: {  	v5 =	vadd.s32 v5, v6  }
0x165: {  	v6 =	vld [tilespmem:$0x4E80];
	v7 =	vor.u32 v1, v5  }
0x166: {  	v8 =	vadd.s32 v3, v5  }
0x167: {  	v5 =	vadd.s32 v4, v5;
	_ =	sdelay $0x2  }
0x168: {  	[tilespmem:v7+s29+$0x0] =	vst.idx.add.f32.msk $0xffff, v2;
	v7 =	vmul.f32 v6, v6  }
0x169: {  	[tilespmem:v8+s29+$0x0] =	vst.idx.add.f32.msk $0xffff, v6  }
0x16a: {  	[tilespmem:v5+s29+$0x0] =	vst.idx.add.f32.msk $0xffff, v7  }
0x16b: {  	_ =	swait.ge [sflag:s28], $0x2710  }
0x16c: {  	[sflag:s28] =	ssyncset.done $0x0  }
0x16d: {  	[sflag:s28] =	ssyncadd.s32 $0xFFFFD8F0  }
0x16e: {  	_ =	swait.ge [sflag:s28], $0x2710  }
0x16f: {  	[sflag:s28] =	ssyncset.done $0x0  }
0x170: {  	[sflag:s28] =	ssyncadd.s32 $0xFFFFD8F0  }
0x171: {  	_ =	swait.ge [sflag:s28], $0x2710  }
0x172: {  	[sflag:s28] =	ssyncset.done $0x0  }
0x173: {  	s6 =	simm.s32 $0x4F20;
	[sflag:s28] =	ssyncadd.s32 $0xFFFFD8F0  }
0x174: {  	s5 =	simm.s32 $0x9E20;
	v5 =	vld [tilespmem:s6+$0xFFFFFFE0]  }
0x175: {  	v6 =	vld [tilespmem:s5+$0xFFFFFFE0];
	_ =	sdelay $0x1  }
0x176: {  	v8 =	vld [tilespmem:s6+$0xFFFFFFF0]  }
0x177: {  	v9 =	vld [tilespmem:s5+$0xFFFFFFF0];
	_ =	sdelay $0x1  }
0x178: {  	v13 =	vld [tilespmem:s5+$0x10];
	v6 =	vshll.u32 v6, $0x9;
	v7 =	vshll.u32 v5, $0x4  }
0x179: {  	v16 =	vld [tilespmem:s6+$0x0];
	v7 =	vadd.s32 v7, v6  }
0x17a: {  	s4 =	simm.s32 $0x20;
	v15 =	vld [tilespmem:s5+$0x0];
	v11 =	vor.u32 v1, v7  }
0x17b: {  	v12 =	vld [tilespmem:s4+$0xFFFFFFF0];
	v9 =	vshll.u32 v9, $0x9;
	v8 =	vshll.u32 v8, $0x4  }
0x17c: {  	v5 =	vld [tilespmem:s4+$0x10];
	v17 =	vadd.s32 v8, v9  }
0x17d: {  	v6 =	vld [tilespmem:s4+$0x0];
	v14 =	vor.u32 v1, v17  }
0x17e: {  	v8 =	vld [tilespmem:s4+$0xFFFFFFE0]  }
0x17f: {  	v13 =	vshll.u32 v13, $0x9;
	v10 =	vadd.s32 v3, v17;
	[tilespmem:v11+s29+$0x0] =	vst.idx.add.f32.msk $0xffff, v2  }
0x180: {  	s7 =	simm.s32 $0x4F60;
	s5 =	simm.s32 $0x0;
	v9 =	vadd.s32 v3, v7;
	v11 =	vadd.s32 v4, v17;
	v17 =	vshll.u32 v16, $0x4;
	v16 =	vld [tilespmem:s6+$0x10];
	s6 =	simm.s32 $0x9E60  }
.LBB2_12:
0x181: {  	v18 =	vld [tilespmem:s7+$0xFFFFFFE0];
	s5 =	sadd.s32 $0x40, s5;
	v15 =	vshll.u32 v15, $0x9;
	s4 =	sadd.s32 $0x40, s4  }
0x182: {  	p0 =	slt.u32 s5, $0x26C0;
	[tilespmem:v14+s29+$0x0] =	vst.idx.add.f32.msk $0xffff, v2;
	v14 =	vadd.s32 v17, v15  }
0x183: {  	v15 =	vld [tilespmem:s7+$0xFFFFFFF0];
	v17 =	vor.u32 v1, v14  }
0x184: {  	[tilespmem:v10+s29+$0x0] =	vst.idx.add.f32.msk $0xffff, v12;
	v10 =	vmul.f32 v12, v12;
	v12 =	vadd.s32 v3, v14  }
0x185: {  	v14 =	vadd.s32 v4, v14;
	v19 =	vld [tilespmem:s6+$0xFFFFFFF0];
	v16 =	vshll.u32 v16, $0x4  }
0x186: {  	[tilespmem:v11+s29+$0x0] =	vst.idx.add.f32.msk $0xffff, v10;
	v10 =	vadd.s32 v16, v13  }
0x187: {  	[tilespmem:v9+s29+$0x0] =	vst.idx.add.f32.msk $0xffff, v8;
	v9 =	vor.u32 v1, v10  }
0x188: {  	v11 =	vadd.s32 v3, v10;
	[tilespmem:v17+s29+$0x0] =	vst.idx.add.f32.msk $0xffff, v2  }
0x189: {  	v7 =	vadd.s32 v4, v7;
	v16 =	vmul.f32 v6, v6;
	v10 =	vadd.s32 v4, v10;
	v13 =	vld [tilespmem:s6+$0xFFFFFFE0]  }
0x18a: {  	[tilespmem:v12+s29+$0x0] =	vst.idx.add.f32.msk $0xffff, v6  }
0x18b: {  	v6 =	vmul.f32 v8, v8;
	[tilespmem:v14+s29+$0x0] =	vst.idx.add.f32.msk $0xffff, v16  }
0x18c: {  	v8 =	vmul.f32 v5, v5;
	[tilespmem:v9+s29+$0x0] =	vst.idx.add.f32.msk $0xffff, v2  }
0x18d: {  	[tilespmem:v11+s29+$0x0] =	vst.idx.add.f32.msk $0xffff, v5  }
0x18e: {  	v9 =	vshll.u32 v15, $0x4;
	v5 =	vshll.u32 v19, $0x9;
	[tilespmem:v10+s29+$0x0] =	vst.idx.add.f32.msk $0xffff, v8  }
0x18f: {  	v8 =	vadd.s32 v9, v5;
	[tilespmem:v7+s29+$0x0] =	vst.idx.add.f32.msk $0xffff, v6  }
0x190: {  	v6 =	vshll.u32 v13, $0x9;
	v7 =	vshll.u32 v18, $0x4;
	v5 =	vld [tilespmem:s4+$0x10]  }
0x191: {  	v10 =	vadd.s32 v3, v8;
	v7 =	vadd.s32 v7, v6;
	v6 =	vld [tilespmem:s4+$0x0]  }
0x192: {  	v13 =	vor.u32 v1, v7;
	v9 =	vadd.s32 v3, v7;
	v16 =	vld [tilespmem:s6+$0x10]  }
0x193: {  	v14 =	vor.u32 v1, v8;
	v11 =	vadd.s32 v4, v8;
	v17 =	vld [tilespmem:s7+$0x0]  }
.Ltmp5:
0x194: {  	v15 =	vld [tilespmem:s6+$0x0];
	(pc) =	sbr.rel @p0 .LBB2_12-.Ltmp5, $4  }
0x195: {  	v12 =	vld [tilespmem:s4+$0xFFFFFFF0]  }
0x196: {  	v8 =	vld [tilespmem:s4+$0xFFFFFFE0]  }
0x197: {  	[tilespmem:v13+s29+$0x0] =	vst.idx.add.f32.msk $0xffff, v2;
	v13 =	vshll.u32 v16, $0x9  }
0x198: {  	s6 =	sadd.s32 $0x40, s6;
	v17 =	vshll.u32 v17, $0x4;
	v16 =	vld [tilespmem:s7+$0x10];
	s7 =	sadd.s32 $0x40, s7  }
0x199: {  	_ =	sdelay $0x1  }
0x19a: {  	v15 =	vshll.u32 v15, $0x9  }
0x19b: {  	v7 =	vadd.s32 v4, v7;
	v15 =	vadd.s32 v17, v15  }
0x19c: {  	[tilespmem:v14+s29+$0x0] =	vst.idx.add.f32.msk $0xffff, v2;
	v56 =	vmul.f32 v12, v12;
	v17 =	vor.u32 v1, v15  }
0x19d: {  	[tilespmem:v10+s29+$0x0] =	vst.idx.add.f32.msk $0xffff, v12;
	v18 =	vadd.s32 v3, v15;
	v57 =	vadd.s32 v4, v15;
	v16 =	vshll.u32 v16, $0x4  }
0x19e: {  	[tilespmem:v9+s29+$0x0] =	vst.idx.add.f32.msk $0xffff, v8;
	v62 =	vmul.f32 v8, v8;
	v58 =	vadd.s32 v16, v13  }
0x19f: {  	[tilespmem:v11+s29+$0x0] =	vst.idx.add.f32.msk $0xffff, v56;
	v59 =	vor.u32 v1, v58  }
0x1a0: {  	[tilespmem:v7+s29+$0x0] =	vst.idx.add.f32.msk $0xffff, v62;
	v60 =	vadd.s32 v3, v58  }
0x1a1: {  	v61 =	vmul.f32 v6, v6;
	v12 =	vadd.s32 v4, v58;
	[tilespmem:v17+s29+$0x0] =	vst.idx.add.f32.msk $0xffff, v2  }
0x1a2: {  	[tilespmem:v18+s29+$0x0] =	vst.idx.add.f32.msk $0xffff, v6  }
0x1a3: {  	[tilespmem:v57+s29+$0x0] =	vst.idx.add.f32.msk $0xffff, v61  }
0x1a4: {  	v6 =	vmul.f32 v5, v5;
	[tilespmem:v59+s29+$0x0] =	vst.idx.add.f32.msk $0xffff, v2  }
0x1a5: {  	[tilespmem:v60+s29+$0x0] =	vst.idx.add.f32.msk $0xffff, v5  }
0x1a6: {  	[tilespmem:v12+s29+$0x0] =	vst.idx.add.f32.msk $0xffff, v6  }
0x1a7: {  	v5 =	vld [tilespmem:$0x7600]  }
0x1a8: {  	v6 =	vld [tilespmem:$0xC500];
	_ =	sdelay $0x4  }
0x1a9: {  	v6 =	vshll.u32 v6, $0x9;
	v5 =	vshll.u32 v5, $0x4  }
0x1aa: {  	v5 =	vadd.s32 v5, v6  }
0x1ab: {  	v6 =	vld [tilespmem:$0x2700];
	v7 =	vor.u32 v1, v5  }
0x1ac: {  	v63 =	vadd.s32 v3, v5  }
0x1ad: {  	v5 =	vadd.s32 v4, v5;
	_ =	sdelay $0x2  }
0x1ae: {  	[tilespmem:v7+s29+$0x0] =	vst.idx.add.f32.msk $0xffff, v2;
	v7 =	vmul.f32 v6, v6  }
0x1af: {  	[tilespmem:v63+s29+$0x0] =	vst.idx.add.f32.msk $0xffff, v6  }
0x1b0: {  	s4 =	simm.s32 $0xFFFFFFFE;
	s5 =	simm.s32 $0x11D10;
	s6 =	simm.s32 $0xEE00;
	[tilespmem:v5+s29+$0x0] =	vst.idx.add.f32.msk $0xffff, v7  }
.LBB2_14:
0x1b1: {  	v5 =	vld [tilespmem:s6+$0xFFFFFF00]  }
0x1b2: {  	v6 =	vld [tilespmem:s6+$0xFFFFFF10]  }
0x1b3: {  	v7 =	vld [tilespmem:s6+$0xFFFFFF20]  }
0x1b4: {  	v8 =	vld [tilespmem:s6+$0xFFFFFF30]  }
0x1b5: {  	v9 =	vld [tilespmem:s6+$0xFFFFFF40]  }
0x1b6: {  	(xrf2) =	vadd.scan.msk.f32 $0xffff, v5;
	v5 =	vld [tilespmem:s6+$0xFFFFFF50]  }
0x1b7: {  	(xrf2) =	vadd.scan.msk.f32 $0xffff, v6;
	v6 =	vld [tilespmem:s6+$0xFFFFFF60]  }
0x1b8: {  	(xrf2) =	vadd.scan.msk.f32 $0xffff, v7;
	v7 =	vld [tilespmem:s6+$0xFFFFFF70]  }
0x1b9: {  	v21 =	vld [tilespmem:s6+$0xFFFFFF80];
	(xrf2) =	vadd.scan.msk.f32 $0xffff, v8  }
0x1ba: {  	v22 =	vld [tilespmem:s6+$0xFFFFFF90];
	(xrf2) =	vadd.scan.msk.f32 $0xffff, v9  }
0x1bb: {  	(xrf2) =	vadd.scan.msk.f32 $0xffff, v5;
	v5 =	vld [tilespmem:s6+$0xFFFFFFA0]  }
0x1bc: {  	(xrf2) =	vadd.scan.msk.f32 $0xffff, v6;
	v6 =	vld [tilespmem:s6+$0xFFFFFFB0]  }
0x1bd: {  	(xrf2) =	vadd.scan.msk.f32 $0xffff, v7;
	v7 =	vld [tilespmem:s6+$0xFFFFFFC0]  }
0x1be: {  	v23 =	vld [tilespmem:s6+$0xFFFFFFD0];
	(xrf2) =	vadd.scan.msk.f32 $0xffff, v21  }
0x1bf: {  	v24 =	vld [tilespmem:s6+$0xFFFFFFE0];
	(xrf2) =	vadd.scan.msk.f32 $0xffff, v22  }
0x1c0: {  	v10, _, _ =	vpop (xrf2);
	(xrf2) =	vadd.scan.msk.f32 $0xffff, v5;
	v5 =	vld [tilespmem:s6+$0xFFFFFFF0]  }
0x1c1: {  	v11, _, _ =	vpop (xrf2);
	(xrf2) =	vadd.scan.msk.f32 $0xffff, v6;
	v6 =	vld [tilespmem:s6+$0x0]  }
0x1c2: {  	v12, _, _ =	vpop (xrf2);
	(xrf2) =	vadd.scan.msk.f32 $0xffff, v7;
	v7 =	vld [tilespmem:s6+$0x10]  }
0x1c3: {  	v25 =	vld [tilespmem:s6+$0x20];
	v13, _, _ =	vpop (xrf2);
	(xrf2) =	vadd.scan.msk.f32 $0xffff, v23  }
0x1c4: {  	v26 =	vld [tilespmem:s6+$0x30];
	v14, _, _ =	vpop (xrf2);
	(xrf2) =	vadd.scan.msk.f32 $0xffff, v24  }
0x1c5: {  	v15, _, _ =	vpop (xrf2);
	(xrf2) =	vadd.scan.msk.f32 $0xffff, v5;
	v5 =	vld [tilespmem:s6+$0x40]  }
0x1c6: {  	v16, _, _ =	vpop (xrf2);
	(xrf2) =	vadd.scan.msk.f32 $0xffff, v6;
	v6 =	vld [tilespmem:s6+$0x50]  }
0x1c7: {  	v17, _, _ =	vpop (xrf2);
	(xrf2) =	vadd.scan.msk.f32 $0xffff, v7;
	v7 =	vld [tilespmem:s6+$0x60]  }
0x1c8: {  	v27 =	vld [tilespmem:s6+$0x70];
	v18, _, _ =	vpop (xrf2);
	(xrf2) =	vadd.scan.msk.f32 $0xffff, v25  }
0x1c9: {  	v28 =	vld [tilespmem:s6+$0x80];
	v19, _, _ =	vpop (xrf2);
	(xrf2) =	vadd.scan.msk.f32 $0xffff, v26  }
0x1ca: {  	v20, _, _ =	vpop (xrf2);
	(xrf2) =	vadd.scan.msk.f32 $0xffff, v5;
	v5 =	vld [tilespmem:s6+$0x90]  }
0x1cb: {  	v21, _, _ =	vpop (xrf2);
	(xrf2) =	vadd.scan.msk.f32 $0xffff, v6;
	v6 =	vld [tilespmem:s6+$0xA0]  }
0x1cc: {  	v22, _, _ =	vpop (xrf2);
	(xrf2) =	vadd.scan.msk.f32 $0xffff, v7;
	v7 =	vld [tilespmem:s6+$0xB0]  }
0x1cd: {  	v10 =	vbroadcast v10, $0xF;
	v11 =	vbroadcast v11, $0xF;
	v30, _, _ =	vpop (xrf2);
	(xrf2) =	vadd.scan.msk.f32 $0xffff, v27  }
0x1ce: {  	v12 =	vbroadcast v12, $0xF;
	v33, _, _ =	vpop (xrf2);
	(xrf2) =	vadd.scan.msk.f32 $0xffff, v28  }
0x1cf: {  	v10 =	vsel vm0, v10, v11;
	v29 =	vbroadcast v13, $0xF;
	v36, _, _ =	vpop (xrf2);
	(xrf2) =	vadd.scan.msk.f32 $0xffff, v5  }
0x1d0: {  	v31 =	vld [tilespmem:s6+$0xC0];
	v10 =	vsel vm1, v10, v12;
	v32 =	vbroadcast v14, $0xF;
	v37, _, _ =	vpop (xrf2);
	(xrf2) =	vadd.scan.msk.f32 $0xffff, v6  }
0x1d1: {  	v34 =	vld [tilespmem:s6+$0xD0];
	v10 =	vsel vm2, v10, v29;
	v35 =	vbroadcast v15, $0xF;
	v38, _, _ =	vpop (xrf2);
	(xrf2) =	vadd.scan.msk.f32 $0xffff, v7;
	v7 =	vbroadcast v17, $0xF  }
0x1d2: {  	v10 =	vsel vm3, v10, v32;
	v5 =	vld [tilespmem:s6+$0xE0];
	v6 =	vbroadcast v16, $0xF  }
0x1d3: {  	v10 =	vsel vm4, v10, v35  }
0x1d4: {  	v40 =	vbroadcast v37, $0xF;
	v6 =	vsel vm5, v10, v6;
	v11 =	vbroadcast v38, $0xF;
	v41, _, _ =	vpop (xrf2)  }
0x1d5: {  	v42 =	vld [tilespmem:s6+$0xF0];
	(xrf2) =	vadd.scan.msk.f32 $0xffff, v31;
	v6 =	vsel vm6, v6, v7;
	v43 =	vbroadcast v41, $0xF;
	v7, _, _ =	vpop (xrf2)  }
0x1d6: {  	v10 =	vsel vm0, v40, v11;
	(xrf2) =	vadd.scan.msk.f32 $0xffff, v34;
	v7 =	vbroadcast v7, $0xF;
	v44, _, _ =	vpop (xrf2)  }
0x1d7: {  	v39 =	vbroadcast v18, $0xF;
	v9 =	vsel vm1, v10, v43;
	(xrf2) =	vadd.scan.msk.f32 $0xffff, v5;
	v5, _, _ =	vpop (xrf2);
	v46 =	vbroadcast v44, $0xF  }
0x1d8: {  	v45 =	vbroadcast v19, $0xF;
	v47, _, _ =	vpop (xrf2);
	v7 =	vsel vm2, v9, v7;
	v5 =	vbroadcast v5, $0xF  }
0x1d9: {  	v48 =	vbroadcast v20, $0xF;
	v7 =	vsel vm3, v7, v46;
	v49 =	vbroadcast v47, $0xF;
	v50, _, _ =	vpop (xrf2)  }
0x1da: {  	v53 =	vbroadcast v21, $0xF;
	(xrf2) =	vadd.scan.msk.f32 $0xffff, v42;
	v51, _, _ =	vpop (xrf2);
	v5 =	vsel vm4, v7, v5;
	v7 =	vbroadcast v50, $0xF  }
0x1db: {  	v55 =	vbroadcast v22, $0xF;
	v52, _, _ =	vpop (xrf2);
	v5 =	vsel vm5, v5, v49;
	v8 =	vbroadcast v51, $0xF  }
0x1dc: {  	v6 =	vsel vm7, v6, v39;
	v54, _, _ =	vpop (xrf2);
	v5 =	vsel vm6, v5, v7;
	v7 =	vbroadcast v52, $0xF  }
0x1dd: {  	v6 =	vsel vm8, v6, v45;
	v56, _, _ =	vpop (xrf2);
	v5 =	vsel vm7, v5, v8;
	v57 =	vbroadcast v54, $0xF  }
0x1de: {  	v6 =	vsel vm9, v6, v48;
	v5 =	vsel vm8, v5, v7;
	v7 =	vbroadcast v56, $0xF  }
0x1df: {  	v60 =	vbroadcast v30, $0xF;
	v6 =	vsel vm10, v6, v53;
	v58, _, _ =	vpop (xrf2);
	v5 =	vsel vm9, v5, v57  }
0x1e0: {  	s4 =	sadd.s32 $0x2, s4;
	v59, _, _ =	vpop (xrf2);
	v61 =	vbroadcast v58, $0xF;
	v5 =	vsel vm10, v5, v7;
	v7 =	vbroadcast v33, $0xF  }
0x1e1: {  	p0 =	slt.u32 s4, $0x2E;
	v6 =	vsel vm11, v6, v55;
	v62, _, _ =	vpop (xrf2);
	v9 =	vbroadcast v59, $0xF  }
.Ltmp6:
0x1e2: {  	v6 =	vsel vm12, v6, v60;
	v5 =	vsel vm11, v5, v61;
	v63 =	vbroadcast v62, $0xF;
	(pc) =	sbr.rel @p0 .LBB2_14-.Ltmp6, $4  }
0x1e3: {  	v6 =	vsel vm13, v6, v7;
	v5 =	vsel vm12, v5, v9  }
0x1e4: {  	v6 =	vsel vm14, v6, v36;
	v5 =	vsel vm13, v5, v63;
	v7, _, _ =	vpop (xrf2)  }
0x1e5: {  	[tilespmem:s5+$0xFFFFFFF0] =	vst v6;
	v5 =	vsel vm14, v5, v7  }
0x1e6: {  	s6 =	sadd.s32 $0x200, s6;
	[tilespmem:s5+$0x0] =	vst v5;
	s5 =	sadd.s32 $0x20, s5  }
0x1e7: {  	s4 =	simm.s32 $0x11D00  }
0x1e8: {  	[hbm4b:s18+s31] =	stream.strided.scatter [tilespmem:s4], [sflag:$0x3], $0x100, s1, s31, $0x38;
	[tilespmem:$0x12000] =	vst v63  }
0x1e9: {  	_ =	swait.ge [sflag:s0], $0x100  }
0x1ea: {  	[sflag:s0] =	ssyncset.done $0x0  }
0x1eb: {  	s6 =	simm.s32 $0x11E00;
	[sflag:s0] =	ssyncadd.s32 $0xFFFFFF00  }
0x1ec: {  	[hbm4b:s19+s31] =	stream.strided.scatter [tilespmem:s6], [sflag:$0x3], $0x100, s1, s31, $0x38;
	[tilespmem:$0x12000] =	vst v63  }
0x1ed: {  	s3 =	sadd.s32 $0x1, s3;
	_ =	swait.ge [sflag:s0], $0x100  }
0x1ee: {  	p0 =	sne.s32 s3, s21;
	[sflag:s0] =	ssyncset.done $0x0  }
.Ltmp7:
0x1ef: {  	s7 =	simm.s32 $0x11F00;
	[sflag:s0] =	ssyncadd.s32 $0xFFFFFF00;
	(pc) =	sbr.rel @p0 .LBB2_1-.Ltmp7, $4  }
0x1f0: {  	[hbm4b:s20+s31] =	stream.strided.scatter [tilespmem:s7], [sflag:$0x3], $0x100, s1, s31, $0x38;
	[tilespmem:$0x12000] =	vst v63  }
0x1f1: {  	_ =	swait.ge [sflag:s0], $0x100  }
0x1f2: {  	[sflag:s0] =	ssyncset.done $0x0  }
0x1f3: {  	[sflag:s0] =	ssyncadd.s32 $0xFFFFFF00  }
0x1f4: {  	_ =	sfence.sel $0x180000  }
0x1f5: {  	[bflag:$0x0] =	sbarrier.arrive $0xFFFF  }
0x1f6: {  	_ =	strace $0x90000047  }
0x1f7: {  	s0 =	stileid.u32;
	[bflag:$0x2] =	sbarrier.arrive $0xFFFF  }
0x1f8: {  	p0 =	sne.s32 s0, $0x0;
	s0 =	rddreg [dreg:$0x4]  }
0x1f9: {  	s0 =	sadd.s32 @!p0 $0x100000, s0  }
0x1fa: {  	[sflag:s0] =	ssyncadd.tile.s32 @!p0 $0x1;
	_ =	shalt  }
.Lfunc_end2:
_tile_overlayer_lowered:
.L_overlay_start_2:
0x1fb: {  	(tag) =	ssettag $0x2  }
0x1fc: {  	s0 =	rddreg [dreg:$0x0];
	s2 =	stileid.u32  }
0x1fd: {  	s1 =	rddreg [dreg:$0x1];
	p0 =	sne.s32 s2, $0x0  }
0x1fe: {  	s3 =	rddreg [dreg:$0x2];
	[bflag:$0x3] =	sbarrier.arrive $0xFFFF;
	s2 =	simm.s32 @!p0 $0x1C03  }
0x1ff: {  	[timem:s3], [sflag:s2] =	dma.local @!p0 [hbm:s0], s1  }
0x200: {  	s0 =	simm.s32 @!p0 $0x3  }
0x201: {  	_ =	swait.ge @!p0 [sflag:s0], s1  }
0x202: {  	s1 =	ssub.s32 @!p0 $0x0, s1;
	[sflag:s0] =	ssyncset.done @!p0 $0x0  }
0x203: {  	[sflag:s0] =	ssyncadd.s32 @!p0 s1  }
0x204: {  	[bflag:$0x3] =	sbarrier.arrive $0xFFFF  }
0x205: {  	_ =	shalt  }

</sc_bundles>
